<compile_context>
chip_gen: v7x
topology: tpu7x:2x2x1
jax: 0.10.2.dev20260603
libtpu: 0.0.44.dev20260713+nightly
codegen_flags: <defaults>
</compile_context>

<pallas_src>
import functools

import jax
import jax.numpy as jnp
from jax import lax
from jax.experimental import pallas as pl
from jax.experimental.pallas import tpu as pltpu
from jax.experimental.pallas import tpu_sc as plsc

N = 10000
E = 320000
D = 128
H = 128

NC = 2
NS = 16
B_E = 80
CH = E // (NC * NS * B_E)
NPAD = 10240
RPT = NPAD // NS
LW = 16

RB = 1000
GRID_R = N // RB

CHUNK_R = 80
N_WB = RPT // CHUNK_R

_mesh = plsc.VectorSubcoreMesh(core_axis_name="c", subcore_axis_name="s")


DEG_IN_COL = 64


@functools.partial(
    pl.kernel,
    mesh=_mesh,
    out_type=jax.ShapeDtypeStruct((NC, NS, N_WB, CHUNK_R, H), jnp.float32),
    scratch_types=[
        pltpu.VMEM((B_E,), jnp.int32),
        pltpu.VMEM((B_E,), jnp.int32),
        pltpu.VMEM((B_E, H), jnp.float32),
        pltpu.VMEM((B_E, H), jnp.float32),
        pltpu.VMEM((CHUNK_R, H), jnp.float32),
        pltpu.VMEM_SHARED((NPAD, H), jnp.float32),
        pltpu.SemaphoreType.DMA,
        pltpu.SemaphoreType.DMA,
    ],
)
def _deg(src_hbm, dst_hbm, ones_s_hbm, ones_d_hbm, zeros_hbm, out_hbm,
         si_v, di_v, ones_s_v, ones_d_v, buf_v, deg_sh, dsem0, dsem1):
    c = lax.axis_index("c")
    s = lax.axis_index("s")
    pltpu.sync_copy(ones_s_hbm, ones_s_v)
    pltpu.sync_copy(ones_d_hbm, ones_d_v)
    pltpu.sync_copy(zeros_hbm, buf_v)

    def zbody(k, carry):
        pltpu.sync_copy(buf_v, deg_sh.at[pl.ds(s * RPT + k * CHUNK_R, CHUNK_R)])
        return carry

    lax.fori_loop(0, N_WB, zbody, 0)
    plsc.subcore_barrier()

    def body(j, carry):
        pltpu.sync_copy(src_hbm.at[c, s, j], si_v)
        pltpu.sync_copy(dst_hbm.at[c, s, j], di_v)
        cp_s = pltpu.make_async_copy(ones_s_v, deg_sh.at[si_v], dsem0)
        cp_d = pltpu.make_async_copy(ones_d_v, deg_sh.at[di_v], dsem1)
        cp_s.start(add=True)
        cp_d.start(add=True)
        cp_s.wait()
        cp_d.wait()
        return carry

    lax.fori_loop(0, CH, body, 0)
    plsc.subcore_barrier()

    def wbody(k, carry):
        pltpu.sync_copy(deg_sh.at[pl.ds(s * RPT + k * CHUNK_R, CHUNK_R)], buf_v)
        pltpu.sync_copy(buf_v, out_hbm.at[c, s, k])
        return carry

    lax.fori_loop(0, N_WB, wbody, 0)


@functools.partial(
    pl.kernel,
    mesh=_mesh,
    out_type=jax.ShapeDtypeStruct((NC, NS, N_WB, CHUNK_R, H), jnp.float32),
    scratch_types=[
        pltpu.VMEM((CH, B_E), jnp.int32),
        pltpu.VMEM((CH, B_E), jnp.int32),
        pltpu.VMEM((B_E, H), jnp.float32),
        pltpu.VMEM_SHARED((NPAD, H), jnp.float32),
        pltpu.SemaphoreType.DMA,
    ],
)
def _agg(xs_hbm, src_hbm, dst_hbm, zeros_hbm, out_hbm,
         src_v, dst_v, rows_v, agg_sh, sem):
    c = lax.axis_index("c")
    s = lax.axis_index("s")
    pltpu.sync_copy(src_hbm.at[c, s], src_v)
    pltpu.sync_copy(dst_hbm.at[c, s], dst_v)
    pltpu.sync_copy(zeros_hbm, rows_v)

    def zbody(k, carry):
        pltpu.sync_copy(rows_v, agg_sh.at[pl.ds(s * RPT + k * CHUNK_R, CHUNK_R)])
        return carry

    lax.fori_loop(0, N_WB, zbody, 0)
    plsc.subcore_barrier()

    def body(j, carry):
        pltpu.async_copy(xs_hbm.at[src_v.at[j]], rows_v, sem).wait()
        pltpu.sync_copy(rows_v, agg_sh.at[dst_v.at[j]], add=True)
        return carry

    lax.fori_loop(0, CH, body, 0)
    plsc.subcore_barrier()

    def wbody(k, carry):
        pltpu.sync_copy(agg_sh.at[pl.ds(s * RPT + k * CHUNK_R, CHUNK_R)], rows_v)
        pltpu.sync_copy(rows_v, out_hbm.at[c, s, k])
        return carry

    lax.fori_loop(0, N_WB, wbody, 0)


def _norms_body(deg_ref, feat_ref, wfc_ref,
                xs_ref, seq_ref, nin_ref, nout_ref):
    d_o = deg_ref[0, :, 0:1] + deg_ref[1, :, 0:1]
    d_i = (deg_ref[0, :, DEG_IN_COL:DEG_IN_COL + 1]
           + deg_ref[1, :, DEG_IN_COL:DEG_IN_COL + 1])
    n_o = jnp.where(d_o > 0, lax.rsqrt(d_o), 0.0)
    n_i = jnp.where(d_i > 0, lax.rsqrt(d_i), 0.0)
    feat = feat_ref[...]
    xs_ref[...] = feat * n_o
    seq_ref[...] = lax.dot_general(
        feat, wfc_ref[...], (((1,), (1,)), ((), ())),
        preferred_element_type=jnp.float32)
    nin_ref[...] = n_i
    nout_ref[...] = n_o


_norms = pl.pallas_call(
    _norms_body,
    grid=(GRID_R,),
    in_specs=[
        pl.BlockSpec((NC, RB, H), lambda i: (0, i, 0)),
        pl.BlockSpec((RB, D), lambda i: (i, 0)),
        pl.BlockSpec((H, D), lambda i: (0, 0)),
    ],
    out_specs=[
        pl.BlockSpec((RB, D), lambda i: (i, 0)),
        pl.BlockSpec((RB, H), lambda i: (i, 0)),
        pl.BlockSpec((RB, 1), lambda i: (i, 0)),
        pl.BlockSpec((RB, 1), lambda i: (i, 0)),
    ],
    out_shape=[
        jax.ShapeDtypeStruct((N, D), jnp.float32),
        jax.ShapeDtypeStruct((N, H), jnp.float32),
        jax.ShapeDtypeStruct((N, 1), jnp.float32),
        jax.ShapeDtypeStruct((N, 1), jnp.float32),
    ],
)


def _layer_body(agg_ref, nin_ref, nout_ref, w_ref, b_ref, xs2_ref):
    a = (agg_ref[0] + agg_ref[1]) * nin_ref[...]
    h = jnp.dot(a, w_ref[...], preferred_element_type=jnp.float32)
    h = jnp.maximum(h + b_ref[...], 0.0)
    xs2_ref[...] = h * nout_ref[...]


_layer = pl.pallas_call(
    _layer_body,
    grid=(GRID_R,),
    in_specs=[
        pl.BlockSpec((NC, RB, H), lambda i: (0, i, 0)),
        pl.BlockSpec((RB, 1), lambda i: (i, 0)),
        pl.BlockSpec((RB, 1), lambda i: (i, 0)),
        pl.BlockSpec((H, H), lambda i: (0, 0)),
        pl.BlockSpec((1, H), lambda i: (0, 0)),
    ],
    out_specs=pl.BlockSpec((RB, H), lambda i: (i, 0)),
    out_shape=jax.ShapeDtypeStruct((N, H), jnp.float32),
)


def _final_body(agg_ref, nin_ref, w_ref, b_ref, seq_ref, g_ref, be_ref,
                h_ref, hn_ref):
    a = (agg_ref[0] + agg_ref[1]) * nin_ref[...]
    h = jnp.dot(a, w_ref[...], preferred_element_type=jnp.float32)
    h = jnp.maximum(h + b_ref[...], 0.0)
    h_ref[...] = h
    h2 = h + seq_ref[...]
    mu = jnp.mean(h2, axis=-1, keepdims=True)
    var = jnp.mean((h2 - mu) ** 2, axis=-1, keepdims=True)
    hn_ref[...] = (h2 - mu) / jnp.sqrt(var + 1e-5) * g_ref[...] + be_ref[...]


_final = pl.pallas_call(
    _final_body,
    grid=(GRID_R,),
    in_specs=[
        pl.BlockSpec((NC, RB, H), lambda i: (0, i, 0)),
        pl.BlockSpec((RB, 1), lambda i: (i, 0)),
        pl.BlockSpec((H, H), lambda i: (0, 0)),
        pl.BlockSpec((1, H), lambda i: (0, 0)),
        pl.BlockSpec((RB, H), lambda i: (i, 0)),
        pl.BlockSpec((1, H), lambda i: (0, 0)),
        pl.BlockSpec((1, H), lambda i: (0, 0)),
    ],
    out_specs=[
        pl.BlockSpec((RB, H), lambda i: (i, 0)),
        pl.BlockSpec((RB, H), lambda i: (i, 0)),
    ],
    out_shape=[
        jax.ShapeDtypeStruct((N, H), jnp.float32),
        jax.ShapeDtypeStruct((N, H), jnp.float32),
    ],
)


def _adj_body(hi_ref, hj_ref, o_ref):
    logits = lax.dot_general(
        hi_ref[...], hj_ref[...], (((1,), (1,)), ((), ())),
        preferred_element_type=jnp.float32)
    o_ref[...] = jax.nn.sigmoid(logits)


AR = 400

_adj = pl.pallas_call(
    _adj_body,
    grid=(N // AR,),
    in_specs=[
        pl.BlockSpec((AR, H), lambda i: (i, 0)),
        pl.BlockSpec((N, H), lambda i: (0, 0)),
    ],
    out_specs=pl.BlockSpec((AR, N), lambda i: (i, 0)),
    out_shape=jax.ShapeDtypeStruct((N, N), jnp.float32),
)


def kernel(features, edge_index, W0, b0, W1, b1, Wfc, gamma, beta):
    src = edge_index[0].reshape(NC, NS, CH, B_E)
    dst = edge_index[1].reshape(NC, NS, CH, B_E)
    lane = jnp.arange(H)
    ones_s = jnp.broadcast_to((lane == 0).astype(jnp.float32), (B_E, H))
    ones_d = jnp.broadcast_to((lane == DEG_IN_COL).astype(jnp.float32), (B_E, H))
    zeros_chunk = jnp.zeros((CHUNK_R, H), jnp.float32)

    deg = _deg(src, dst, ones_s, ones_d, zeros_chunk).reshape(NC, NPAD, H)
    xs, seq_fts, n_in, n_out = _norms(deg, features, Wfc)

    p1 = _agg(xs, src, dst, zeros_chunk).reshape(NC, NPAD, H)
    xs2 = _layer(p1, n_in, n_out, W0, b0.reshape(1, H))
    p2 = _agg(xs2, src, dst, zeros_chunk).reshape(NC, NPAD, H)
    h, hn = _final(p2, n_in, W1, b1.reshape(1, H), seq_fts,
                   gamma.reshape(1, H), beta.reshape(1, H))
    adj = _adj(h, h)
    return (adj, hn, seq_fts)

# --- scband reference (transcript-rebuilt; emitter-appended) ---
"""Pipeline reference for scband-gcn-lp-69999376990691 (READ-ONLY COPY).

The authoritative reference and input builder live on the scoring server;
editing this copy changes nothing except your own understanding.
"""

import jax, jax.numpy as jnp
import numpy as np

N = 10000
E = 320000
D = 128
H = 128

def _graph_conv(x, src, dst, W, b):
    # DGL GraphConv with norm='both', allow_zero_in_degree=True, activation=relu
    deg_out = jnp.zeros((N,), dtype=x.dtype).at[src].add(1.0)
    deg_in = jnp.zeros((N,), dtype=x.dtype).at[dst].add(1.0)
    norm_out = jnp.where(deg_out > 0, deg_out ** -0.5, 0.0)
    norm_in = jnp.where(deg_in > 0, deg_in ** -0.5, 0.0)
    xs = x * norm_out[:, None]
    msg = jnp.take(xs, src, axis=0)
    agg = jnp.zeros((N, x.shape[1]), dtype=x.dtype).at[dst].add(msg)
    agg = agg * norm_in[:, None]
    out = agg @ W + b
    return jax.nn.relu(out)

def _layernorm(x, gamma, beta, eps=1e-5):
    mu = jnp.mean(x, axis=-1, keepdims=True)
    var = jnp.mean((x - mu) ** 2, axis=-1, keepdims=True)
    return (x - mu) / jnp.sqrt(var + eps) * gamma + beta

def setup_inputs(seed: int = 0) -> dict:
    key = jax.random.key(seed)
    ks = jax.random.split(key, 8)
    features = jax.random.normal(ks[0], (N, D), dtype=jnp.float32)
    edge_index = jax.random.randint(ks[1], (2, E), 0, N, dtype=jnp.int32)
    s0 = 1.0 / np.sqrt(D)
    s1 = 1.0 / np.sqrt(H)
    W0 = jax.random.uniform(ks[2], (D, H), dtype=jnp.float32, minval=-s0, maxval=s0)
    b0 = jnp.zeros((H,), dtype=jnp.float32)
    W1 = jax.random.uniform(ks[3], (H, H), dtype=jnp.float32, minval=-s1, maxval=s1)
    b1 = jnp.zeros((H,), dtype=jnp.float32)
    Wfc = jax.random.uniform(ks[4], (H, D), dtype=jnp.float32, minval=-s0, maxval=s0)
    gamma = jnp.ones((H,), dtype=jnp.float32)
    beta = jnp.zeros((H,), dtype=jnp.float32)
    return {"features": features, "edge_index": edge_index, "W0": W0, "b0": b0, "W1": W1, "b1": b1, "Wfc": Wfc, "gamma": gamma, "beta": beta}

def reference(features, edge_index, W0, b0, W1, b1, Wfc, gamma, beta):
    src = edge_index[0]
    dst = edge_index[1]
    h = _graph_conv(features, src, dst, W0, b0)
    # dropout is identity in eval mode
    h = _graph_conv(h, src, dst, W1, b1)
    adj_rec = jax.nn.sigmoid(h @ h.T)
    seq_fts = features @ Wfc.T  # nn.Linear(in_dim, hidden_dim, bias=False)
    h2 = h + seq_fts
    hn = _layernorm(h2, gamma, beta)
    return (adj_rec, hn, seq_fts)

if __name__ == "__main__":
    import jax
    _d = setup_inputs()
    print(jax.jit(kernel)(*tuple(_d.values())))

</pallas_src>

<mosaic_0001>
#map = affine_map<(d0, d1) -> (0, 0)>
#map1 = affine_map<(d0, d1) -> (0, 0, 0, 0)>
#map2 = affine_map<(d0, d1) -> (0, 0, 0, 0, 0)>
module attributes {stable_mosaic.version = 14 : i64} {
  func.func @_agg(%arg0: i32, %arg1: i32, %arg2: memref<10000x128xf32, #tpu.memory_space<hbm>>, %arg3: memref<2x16x125x80xi32, #tpu.memory_space<hbm>>, %arg4: memref<2x16x125x80xi32, #tpu.memory_space<hbm>>, %arg5: memref<80x128xf32, #tpu.memory_space<hbm>>, %arg6: memref<2x16x8x80x128xf32, #tpu.memory_space<hbm>>, %arg7: memref<125x80xi32, #tpu.memory_space<vmem>>, %arg8: memref<125x80xi32, #tpu.memory_space<vmem>>, %arg9: memref<80x128xf32, #tpu.memory_space<vmem>>, %arg10: memref<10240x128xf32, #tpu.memory_space<vmem_shared>>, %arg11: memref<!tpu.dma_semaphore, #tpu.memory_space<semaphore_mem>>) attributes {dimension_semantics = [#tpu.dimension_semantics<core_parallel>, #tpu.dimension_semantics<subcore_parallel>], iteration_bounds = array<i64: 2, 16>, scalar_prefetch = 0 : i64, scratch_operands = 5 : i64, tpu.core_type = #tpu.core_type<sc_vector_subcore>, window_params = [{transform_indices = #map}, {transform_indices = #map1}, {transform_indices = #map1}, {transform_indices = #map}, {transform_indices = #map2}]} {
    "tpu.region"() ({
      %run_scoped3A = tpu.sem_alloc : memref<!tpu.dma_semaphore, #tpu.memory_space<semaphore_mem>>
      %dma_start3A = arith.constant 0 : i32
      %dma_start3A_18 = arith.constant 0 : i32
      %dma_start3A_19 = tpu.memref_slice %arg3[%arg0, %arg1, %dma_start3A, %dma_start3A_18] : memref<2x16x125x80xi32, #tpu.memory_space<hbm>> -> memref<1x1x125x80xi32, #tpu.memory_space<hbm>>
      %dma_start3A_20 = tpu.memref_squeeze %dma_start3A_19 : memref<1x1x125x80xi32, #tpu.memory_space<hbm>> -> memref<125x80xi32, #tpu.memory_space<hbm>>
      %dma_start3A_21 = arith.constant 0 : i32
      %dma_start3A_22 = arith.constant 0 : i32
      %dma_start3A_23 = tpu.memref_slice %arg3[%arg0, %arg1, %dma_start3A_21, %dma_start3A_22] : memref<2x16x125x80xi32, #tpu.memory_space<hbm>> -> memref<1x1x125x80xi32, #tpu.memory_space<hbm>>
      %dma_start3A_24 = tpu.memref_squeeze %dma_start3A_23 : memref<1x1x125x80xi32, #tpu.memory_space<hbm>> -> memref<125x80xi32, #tpu.memory_space<hbm>>
      tpu.enqueue_dma source(%dma_start3A_24 : memref<125x80xi32, #tpu.memory_space<hbm>>) target(%arg7 : memref<125x80xi32, #tpu.memory_space<vmem>>) target_semaphore(%run_scoped3A : memref<!tpu.dma_semaphore, #tpu.memory_space<semaphore_mem>>)
      %dma_wait3A = arith.constant 0 : i32
      %dma_wait3A_25 = arith.constant 0 : i32
      %dma_wait3A_26 = tpu.memref_slice %arg3[%arg0, %arg1, %dma_wait3A, %dma_wait3A_25] : memref<2x16x125x80xi32, #tpu.memory_space<hbm>> -> memref<1x1x125x80xi32, #tpu.memory_space<hbm>>
      %dma_wait3A_27 = tpu.memref_squeeze %dma_wait3A_26 : memref<1x1x125x80xi32, #tpu.memory_space<hbm>> -> memref<125x80xi32, #tpu.memory_space<hbm>>
      %dma_wait3A_28 = arith.constant 0 : i32
      %dma_wait3A_29 = arith.constant 0 : i32
      %dma_wait3A_30 = tpu.memref_slice %arg3[%arg0, %arg1, %dma_wait3A_28, %dma_wait3A_29] : memref<2x16x125x80xi32, #tpu.memory_space<hbm>> -> memref<1x1x125x80xi32, #tpu.memory_space<hbm>>
      %dma_wait3A_31 = tpu.memref_squeeze %dma_wait3A_30 : memref<1x1x125x80xi32, #tpu.memory_space<hbm>> -> memref<125x80xi32, #tpu.memory_space<hbm>>
      tpu.wait_dma2 semaphore(%run_scoped3A : memref<!tpu.dma_semaphore, #tpu.memory_space<semaphore_mem>>) src(%dma_wait3A_31 : memref<125x80xi32, #tpu.memory_space<hbm>>) dst(%arg7 : memref<125x80xi32, #tpu.memory_space<vmem>>)
      tpu.yield
    }) : () -> ()
    "tpu.region"() ({
      %run_scoped3A = tpu.sem_alloc : memref<!tpu.dma_semaphore, #tpu.memory_space<semaphore_mem>>
      %dma_start3A = arith.constant 0 : i32
      %dma_start3A_18 = arith.constant 0 : i32
      %dma_start3A_19 = tpu.memref_slice %arg4[%arg0, %arg1, %dma_start3A, %dma_start3A_18] : memref<2x16x125x80xi32, #tpu.memory_space<hbm>> -> memref<1x1x125x80xi32, #tpu.memory_space<hbm>>
      %dma_start3A_20 = tpu.memref_squeeze %dma_start3A_19 : memref<1x1x125x80xi32, #tpu.memory_space<hbm>> -> memref<125x80xi32, #tpu.memory_space<hbm>>
      %dma_start3A_21 = arith.constant 0 : i32
      %dma_start3A_22 = arith.constant 0 : i32
      %dma_start3A_23 = tpu.memref_slice %arg4[%arg0, %arg1, %dma_start3A_21, %dma_start3A_22] : memref<2x16x125x80xi32, #tpu.memory_space<hbm>> -> memref<1x1x125x80xi32, #tpu.memory_space<hbm>>
      %dma_start3A_24 = tpu.memref_squeeze %dma_start3A_23 : memref<1x1x125x80xi32, #tpu.memory_space<hbm>> -> memref<125x80xi32, #tpu.memory_space<hbm>>
      tpu.enqueue_dma source(%dma_start3A_24 : memref<125x80xi32, #tpu.memory_space<hbm>>) target(%arg8 : memref<125x80xi32, #tpu.memory_space<vmem>>) target_semaphore(%run_scoped3A : memref<!tpu.dma_semaphore, #tpu.memory_space<semaphore_mem>>)
      %dma_wait3A = arith.constant 0 : i32
      %dma_wait3A_25 = arith.constant 0 : i32
      %dma_wait3A_26 = tpu.memref_slice %arg4[%arg0, %arg1, %dma_wait3A, %dma_wait3A_25] : memref<2x16x125x80xi32, #tpu.memory_space<hbm>> -> memref<1x1x125x80xi32, #tpu.memory_space<hbm>>
      %dma_wait3A_27 = tpu.memref_squeeze %dma_wait3A_26 : memref<1x1x125x80xi32, #tpu.memory_space<hbm>> -> memref<125x80xi32, #tpu.memory_space<hbm>>
      %dma_wait3A_28 = arith.constant 0 : i32
      %dma_wait3A_29 = arith.constant 0 : i32
      %dma_wait3A_30 = tpu.memref_slice %arg4[%arg0, %arg1, %dma_wait3A_28, %dma_wait3A_29] : memref<2x16x125x80xi32, #tpu.memory_space<hbm>> -> memref<1x1x125x80xi32, #tpu.memory_space<hbm>>
      %dma_wait3A_31 = tpu.memref_squeeze %dma_wait3A_30 : memref<1x1x125x80xi32, #tpu.memory_space<hbm>> -> memref<125x80xi32, #tpu.memory_space<hbm>>
      tpu.wait_dma2 semaphore(%run_scoped3A : memref<!tpu.dma_semaphore, #tpu.memory_space<semaphore_mem>>) src(%dma_wait3A_31 : memref<125x80xi32, #tpu.memory_space<hbm>>) dst(%arg8 : memref<125x80xi32, #tpu.memory_space<vmem>>)
      tpu.yield
    }) : () -> ()
    "tpu.region"() ({
      %run_scoped3A = tpu.sem_alloc : memref<!tpu.dma_semaphore, #tpu.memory_space<semaphore_mem>>
      tpu.enqueue_dma source(%arg5 : memref<80x128xf32, #tpu.memory_space<hbm>>) target(%arg9 : memref<80x128xf32, #tpu.memory_space<vmem>>) target_semaphore(%run_scoped3A : memref<!tpu.dma_semaphore, #tpu.memory_space<semaphore_mem>>)
      tpu.wait_dma2 semaphore(%run_scoped3A : memref<!tpu.dma_semaphore, #tpu.memory_space<semaphore_mem>>) src(%arg5 : memref<80x128xf32, #tpu.memory_space<hbm>>) dst(%arg9 : memref<80x128xf32, #tpu.memory_space<vmem>>)
      tpu.yield
    }) : () -> ()
    %scan3A = arith.constant 0 : i32
    %scan3A_0 = arith.constant 0 : i32
    %scan3A_1 = arith.constant 8 : i32
    %scan3A_2 = arith.addi %scan3A_0, %scan3A_1 : i32
    %scan3A_3 = arith.constant 1 : i32
    scf.for %scan3A_18 = %scan3A_0 to %scan3A_2 step %scan3A_3  : i32 {
      %mul3A = arith.constant 640 : i32
      %mul3A_19 = arith.muli %arg1, %mul3A : i32
      %mul3A_20 = arith.constant 80 : i32
      %mul3A_21 = arith.muli %scan3A_18, %mul3A_20 : i32
      %add3A = arith.addi %mul3A_19, %mul3A_21 : i32
      "tpu.region"() ({
        %run_scoped3A = tpu.sem_alloc : memref<!tpu.dma_semaphore, #tpu.memory_space<semaphore_mem>>
        %dma_start3A = arith.constant 0 : i32
        %dma_start3A_22 = tpu.memref_slice %arg10[%add3A, %dma_start3A] : memref<10240x128xf32, #tpu.memory_space<vmem_shared>> -> memref<80x128xf32, #tpu.memory_space<vmem_shared>>
        %dma_start3A_23 = arith.constant 0 : i32
        %dma_start3A_24 = tpu.memref_slice %arg10[%add3A, %dma_start3A_23] : memref<10240x128xf32, #tpu.memory_space<vmem_shared>> -> memref<80x128xf32, #tpu.memory_space<vmem_shared>>
        tpu.enqueue_dma source(%arg9 : memref<80x128xf32, #tpu.memory_space<vmem>>) target(%dma_start3A_24 : memref<80x128xf32, #tpu.memory_space<vmem_shared>>) target_semaphore(%run_scoped3A : memref<!tpu.dma_semaphore, #tpu.memory_space<semaphore_mem>>)
        %dma_wait3A = arith.constant 0 : i32
        %dma_wait3A_25 = tpu.memref_slice %arg10[%add3A, %dma_wait3A] : memref<10240x128xf32, #tpu.memory_space<vmem_shared>> -> memref<80x128xf32, #tpu.memory_space<vmem_shared>>
        %dma_wait3A_26 = arith.constant 0 : i32
        %dma_wait3A_27 = tpu.memref_slice %arg10[%add3A, %dma_wait3A_26] : memref<10240x128xf32, #tpu.memory_space<vmem_shared>> -> memref<80x128xf32, #tpu.memory_space<vmem_shared>>
        tpu.wait_dma2 semaphore(%run_scoped3A : memref<!tpu.dma_semaphore, #tpu.memory_space<semaphore_mem>>) src(%arg9 : memref<80x128xf32, #tpu.memory_space<vmem>>) dst(%dma_wait3A_27 : memref<80x128xf32, #tpu.memory_space<vmem_shared>>)
        tpu.yield
      }) : () -> ()
    }
    %scan3A_4 = arith.constant 8 : i32
    %barrier3A = arith.constant 0 : index
    tpu.barrier barrier_id(%barrier3A)
    %scan3A_5 = arith.constant 0 : i32
    %scan3A_6 = arith.constant 0 : i32
    %scan3A_7 = arith.constant 125 : i32
    %scan3A_8 = arith.addi %scan3A_6, %scan3A_7 : i32
    %scan3A_9 = arith.constant 1 : i32
    scf.for %scan3A_18 = %scan3A_6 to %scan3A_8 step %scan3A_9  : i32 {
      %dma_start3A = arith.constant 0 : i32
      %dma_start3A_19 = tpu.memref_slice %arg7[%scan3A_18, %dma_start3A] : memref<125x80xi32, #tpu.memory_space<vmem>> -> memref<1x80xi32, #tpu.memory_space<vmem>>
      %dma_start3A_20 = tpu.memref_squeeze %dma_start3A_19 : memref<1x80xi32, #tpu.memory_space<vmem>> -> memref<80xi32, #tpu.memory_space<vmem>>
      %dma_start3A_21 = arith.constant 0 : i32
      %dma_start3A_22 = arith.constant 0 : i32
      %dma_start3A_23 = tpu.memref_slice %arg2[%dma_start3A_21, %dma_start3A_22] : memref<10000x128xf32, #tpu.memory_space<hbm>> -> memref<10000x128xf32, #tpu.memory_space<hbm>>
      tpu.enqueue_indirect_dma source(%dma_start3A_23 : memref<10000x128xf32, #tpu.memory_space<hbm>>) target(%arg9 : memref<80x128xf32, #tpu.memory_space<vmem>>) offsets(%dma_start3A_20 : memref<80xi32, #tpu.memory_space<vmem>>) semaphore(%arg11 : memref<!tpu.dma_semaphore, #tpu.memory_space<semaphore_mem>>)
      %dma_wait3A = arith.constant 0 : i32
      %dma_wait3A_24 = tpu.memref_slice %arg7[%scan3A_18, %dma_wait3A] : memref<125x80xi32, #tpu.memory_space<vmem>> -> memref<1x80xi32, #tpu.memory_space<vmem>>
      %dma_wait3A_25 = tpu.memref_squeeze %dma_wait3A_24 : memref<1x80xi32, #tpu.memory_space<vmem>> -> memref<80xi32, #tpu.memory_space<vmem>>
      %dma_wait3A_26 = arith.constant 0 : i32
      %dma_wait3A_27 = arith.constant 0 : i32
      %dma_wait3A_28 = tpu.memref_slice %arg2[%dma_wait3A_26, %dma_wait3A_27] : memref<10000x128xf32, #tpu.memory_space<hbm>> -> memref<10000x128xf32, #tpu.memory_space<hbm>>
      tpu.wait_indirect_dma semaphore(%arg11 : memref<!tpu.dma_semaphore, #tpu.memory_space<semaphore_mem>>) src(%dma_wait3A_28 : memref<10000x128xf32, #tpu.memory_space<hbm>>) dst(%arg9 : memref<80x128xf32, #tpu.memory_space<vmem>>)
      "tpu.region"() ({
        %run_scoped3A = tpu.sem_alloc : memref<!tpu.dma_semaphore, #tpu.memory_space<semaphore_mem>>
        %dma_start3A_29 = arith.constant 0 : i32
        %dma_start3A_30 = tpu.memref_slice %arg8[%scan3A_18, %dma_start3A_29] : memref<125x80xi32, #tpu.memory_space<vmem>> -> memref<1x80xi32, #tpu.memory_space<vmem>>
        %dma_start3A_31 = tpu.memref_squeeze %dma_start3A_30 : memref<1x80xi32, #tpu.memory_space<vmem>> -> memref<80xi32, #tpu.memory_space<vmem>>
        %dma_start3A_32 = arith.constant 0 : i32
        %dma_start3A_33 = arith.constant 0 : i32
        %dma_start3A_34 = tpu.memref_slice %arg10[%dma_start3A_32, %dma_start3A_33] : memref<10240x128xf32, #tpu.memory_space<vmem_shared>> -> memref<10240x128xf32, #tpu.memory_space<vmem_shared>>
        tpu.enqueue_indirect_dma source(%arg9 : memref<80x128xf32, #tpu.memory_space<vmem>>) target(%dma_start3A_34 : memref<10240x128xf32, #tpu.memory_space<vmem_shared>>) offsets(%dma_start3A_31 : memref<80xi32, #tpu.memory_space<vmem>>) semaphore(%run_scoped3A : memref<!tpu.dma_semaphore, #tpu.memory_space<semaphore_mem>>) {add = true}
        %dma_wait3A_35 = arith.constant 0 : i32
        %dma_wait3A_36 = tpu.memref_slice %arg8[%scan3A_18, %dma_wait3A_35] : memref<125x80xi32, #tpu.memory_space<vmem>> -> memref<1x80xi32, #tpu.memory_space<vmem>>
        %dma_wait3A_37 = tpu.memref_squeeze %dma_wait3A_36 : memref<1x80xi32, #tpu.memory_space<vmem>> -> memref<80xi32, #tpu.memory_space<vmem>>
        %dma_wait3A_38 = arith.constant 0 : i32
        %dma_wait3A_39 = arith.constant 0 : i32
        %dma_wait3A_40 = tpu.memref_slice %arg10[%dma_wait3A_38, %dma_wait3A_39] : memref<10240x128xf32, #tpu.memory_space<vmem_shared>> -> memref<10240x128xf32, #tpu.memory_space<vmem_shared>>
        tpu.wait_indirect_dma semaphore(%run_scoped3A : memref<!tpu.dma_semaphore, #tpu.memory_space<semaphore_mem>>) src(%arg9 : memref<80x128xf32, #tpu.memory_space<vmem>>) dst(%dma_wait3A_40 : memref<10240x128xf32, #tpu.memory_space<vmem_shared>>)
        tpu.yield
      }) : () -> ()
    }
    %scan3A_10 = arith.constant 125 : i32
    %barrier3A_11 = arith.constant 0 : index
    tpu.barrier barrier_id(%barrier3A_11)
    %scan3A_12 = arith.constant 0 : i32
    %scan3A_13 = arith.constant 0 : i32
    %scan3A_14 = arith.constant 8 : i32
    %scan3A_15 = arith.addi %scan3A_13, %scan3A_14 : i32
    %scan3A_16 = arith.constant 1 : i32
    scf.for %scan3A_18 = %scan3A_13 to %scan3A_15 step %scan3A_16  : i32 {
      %mul3A = arith.constant 640 : i32
      %mul3A_19 = arith.muli %arg1, %mul3A : i32
      %mul3A_20 = arith.constant 80 : i32
      %mul3A_21 = arith.muli %scan3A_18, %mul3A_20 : i32
      %add3A = arith.addi %mul3A_19, %mul3A_21 : i32
      "tpu.region"() ({
        %run_scoped3A = tpu.sem_alloc : memref<!tpu.dma_semaphore, #tpu.memory_space<semaphore_mem>>
        %dma_start3A = arith.constant 0 : i32
        %dma_start3A_22 = tpu.memref_slice %arg10[%add3A, %dma_start3A] : memref<10240x128xf32, #tpu.memory_space<vmem_shared>> -> memref<80x128xf32, #tpu.memory_space<vmem_shared>>
        %dma_start3A_23 = arith.constant 0 : i32
        %dma_start3A_24 = tpu.memref_slice %arg10[%add3A, %dma_start3A_23] : memref<10240x128xf32, #tpu.memory_space<vmem_shared>> -> memref<80x128xf32, #tpu.memory_space<vmem_shared>>
        tpu.enqueue_dma source(%dma_start3A_24 : memref<80x128xf32, #tpu.memory_space<vmem_shared>>) target(%arg9 : memref<80x128xf32, #tpu.memory_space<vmem>>) target_semaphore(%run_scoped3A : memref<!tpu.dma_semaphore, #tpu.memory_space<semaphore_mem>>)
        %dma_wait3A = arith.constant 0 : i32
        %dma_wait3A_25 = tpu.memref_slice %arg10[%add3A, %dma_wait3A] : memref<10240x128xf32, #tpu.memory_space<vmem_shared>> -> memref<80x128xf32, #tpu.memory_space<vmem_shared>>
        %dma_wait3A_26 = arith.constant 0 : i32
        %dma_wait3A_27 = tpu.memref_slice %arg10[%add3A, %dma_wait3A_26] : memref<10240x128xf32, #tpu.memory_space<vmem_shared>> -> memref<80x128xf32, #tpu.memory_space<vmem_shared>>
        tpu.wait_dma2 semaphore(%run_scoped3A : memref<!tpu.dma_semaphore, #tpu.memory_space<semaphore_mem>>) src(%dma_wait3A_27 : memref<80x128xf32, #tpu.memory_space<vmem_shared>>) dst(%arg9 : memref<80x128xf32, #tpu.memory_space<vmem>>)
        tpu.yield
      }) : () -> ()
      "tpu.region"() ({
        %run_scoped3A = tpu.sem_alloc : memref<!tpu.dma_semaphore, #tpu.memory_space<semaphore_mem>>
        %dma_start3A = arith.constant 0 : i32
        %dma_start3A_22 = arith.constant 0 : i32
        %dma_start3A_23 = tpu.memref_slice %arg6[%arg0, %arg1, %scan3A_18, %dma_start3A, %dma_start3A_22] : memref<2x16x8x80x128xf32, #tpu.memory_space<hbm>> -> memref<1x1x1x80x128xf32, #tpu.memory_space<hbm>>
        %dma_start3A_24 = tpu.memref_squeeze %dma_start3A_23 : memref<1x1x1x80x128xf32, #tpu.memory_space<hbm>> -> memref<80x128xf32, #tpu.memory_space<hbm>>
        %dma_start3A_25 = arith.constant 0 : i32
        %dma_start3A_26 = arith.constant 0 : i32
        %dma_start3A_27 = tpu.memref_slice %arg6[%arg0, %arg1, %scan3A_18, %dma_start3A_25, %dma_start3A_26] : memref<2x16x8x80x128xf32, #tpu.memory_space<hbm>> -> memref<1x1x1x80x128xf32, #tpu.memory_space<hbm>>
        %dma_start3A_28 = tpu.memref_squeeze %dma_start3A_27 : memref<1x1x1x80x128xf32, #tpu.memory_space<hbm>> -> memref<80x128xf32, #tpu.memory_space<hbm>>
        tpu.enqueue_dma source(%arg9 : memref<80x128xf32, #tpu.memory_space<vmem>>) target(%dma_start3A_28 : memref<80x128xf32, #tpu.memory_space<hbm>>) target_semaphore(%run_scoped3A : memref<!tpu.dma_semaphore, #tpu.memory_space<semaphore_mem>>)
        %dma_wait3A = arith.constant 0 : i32
        %dma_wait3A_29 = arith.constant 0 : i32
        %dma_wait3A_30 = tpu.memref_slice %arg6[%arg0, %arg1, %scan3A_18, %dma_wait3A, %dma_wait3A_29] : memref<2x16x8x80x128xf32, #tpu.memory_space<hbm>> -> memref<1x1x1x80x128xf32, #tpu.memory_space<hbm>>
        %dma_wait3A_31 = tpu.memref_squeeze %dma_wait3A_30 : memref<1x1x1x80x128xf32, #tpu.memory_space<hbm>> -> memref<80x128xf32, #tpu.memory_space<hbm>>
        %dma_wait3A_32 = arith.constant 0 : i32
        %dma_wait3A_33 = arith.constant 0 : i32
        %dma_wait3A_34 = tpu.memref_slice %arg6[%arg0, %arg1, %scan3A_18, %dma_wait3A_32, %dma_wait3A_33] : memref<2x16x8x80x128xf32, #tpu.memory_space<hbm>> -> memref<1x1x1x80x128xf32, #tpu.memory_space<hbm>>
        %dma_wait3A_35 = tpu.memref_squeeze %dma_wait3A_34 : memref<1x1x1x80x128xf32, #tpu.memory_space<hbm>> -> memref<80x128xf32, #tpu.memory_space<hbm>>
        tpu.wait_dma2 semaphore(%run_scoped3A : memref<!tpu.dma_semaphore, #tpu.memory_space<semaphore_mem>>) src(%arg9 : memref<80x128xf32, #tpu.memory_space<vmem>>) dst(%dma_wait3A_35 : memref<80x128xf32, #tpu.memory_space<hbm>>)
        tpu.yield
      }) : () -> ()
    }
    %scan3A_17 = arith.constant 8 : i32
    return
  }
}

#map = affine_map<(d0, d1) -> (0, 0, 0, 0)>
#map1 = affine_map<(d0, d1) -> (0, 0)>
#map2 = affine_map<(d0, d1) -> (0, 0, 0, 0, 0)>
module attributes {stable_mosaic.version = 14 : i64} {
  func.func @_deg(%arg0: i32, %arg1: i32, %arg2: memref<2x16x125x80xi32, #tpu.memory_space<hbm>>, %arg3: memref<2x16x125x80xi32, #tpu.memory_space<hbm>>, %arg4: memref<80x128xf32, #tpu.memory_space<hbm>>, %arg5: memref<80x128xf32, #tpu.memory_space<hbm>>, %arg6: memref<80x128xf32, #tpu.memory_space<hbm>>, %arg7: memref<2x16x8x80x128xf32, #tpu.memory_space<hbm>>, %arg8: memref<80xi32, #tpu.memory_space<vmem>>, %arg9: memref<80xi32, #tpu.memory_space<vmem>>, %arg10: memref<80x128xf32, #tpu.memory_space<vmem>>, %arg11: memref<80x128xf32, #tpu.memory_space<vmem>>, %arg12: memref<80x128xf32, #tpu.memory_space<vmem>>, %arg13: memref<10240x128xf32, #tpu.memory_space<vmem_shared>>, %arg14: memref<!tpu.dma_semaphore, #tpu.memory_space<semaphore_mem>>, %arg15: memref<!tpu.dma_semaphore, #tpu.memory_space<semaphore_mem>>) attributes {dimension_semantics = [#tpu.dimension_semantics<core_parallel>, #tpu.dimension_semantics<subcore_parallel>], iteration_bounds = array<i64: 2, 16>, scalar_prefetch = 0 : i64, scratch_operands = 8 : i64, tpu.core_type = #tpu.core_type<sc_vector_subcore>, window_params = [{transform_indices = #map}, {transform_indices = #map}, {transform_indices = #map1}, {transform_indices = #map1}, {transform_indices = #map1}, {transform_indices = #map2}]} {
    "tpu.region"() ({
      %run_scoped3A = tpu.sem_alloc : memref<!tpu.dma_semaphore, #tpu.memory_space<semaphore_mem>>
      tpu.enqueue_dma source(%arg4 : memref<80x128xf32, #tpu.memory_space<hbm>>) target(%arg10 : memref<80x128xf32, #tpu.memory_space<vmem>>) target_semaphore(%run_scoped3A : memref<!tpu.dma_semaphore, #tpu.memory_space<semaphore_mem>>)
      tpu.wait_dma2 semaphore(%run_scoped3A : memref<!tpu.dma_semaphore, #tpu.memory_space<semaphore_mem>>) src(%arg4 : memref<80x128xf32, #tpu.memory_space<hbm>>) dst(%arg10 : memref<80x128xf32, #tpu.memory_space<vmem>>)
      tpu.yield
    }) : () -> ()
    "tpu.region"() ({
      %run_scoped3A = tpu.sem_alloc : memref<!tpu.dma_semaphore, #tpu.memory_space<semaphore_mem>>
      tpu.enqueue_dma source(%arg5 : memref<80x128xf32, #tpu.memory_space<hbm>>) target(%arg11 : memref<80x128xf32, #tpu.memory_space<vmem>>) target_semaphore(%run_scoped3A : memref<!tpu.dma_semaphore, #tpu.memory_space<semaphore_mem>>)
      tpu.wait_dma2 semaphore(%run_scoped3A : memref<!tpu.dma_semaphore, #tpu.memory_space<semaphore_mem>>) src(%arg5 : memref<80x128xf32, #tpu.memory_space<hbm>>) dst(%arg11 : memref<80x128xf32, #tpu.memory_space<vmem>>)
      tpu.yield
    }) : () -> ()
    "tpu.region"() ({
      %run_scoped3A = tpu.sem_alloc : memref<!tpu.dma_semaphore, #tpu.memory_space<semaphore_mem>>
      tpu.enqueue_dma source(%arg6 : memref<80x128xf32, #tpu.memory_space<hbm>>) target(%arg12 : memref<80x128xf32, #tpu.memory_space<vmem>>) target_semaphore(%run_scoped3A : memref<!tpu.dma_semaphore, #tpu.memory_space<semaphore_mem>>)
      tpu.wait_dma2 semaphore(%run_scoped3A : memref<!tpu.dma_semaphore, #tpu.memory_space<semaphore_mem>>) src(%arg6 : memref<80x128xf32, #tpu.memory_space<hbm>>) dst(%arg12 : memref<80x128xf32, #tpu.memory_space<vmem>>)
      tpu.yield
    }) : () -> ()
    %scan3A = arith.constant 0 : i32
    %scan3A_0 = arith.constant 0 : i32
    %scan3A_1 = arith.constant 8 : i32
    %scan3A_2 = arith.addi %scan3A_0, %scan3A_1 : i32
    %scan3A_3 = arith.constant 1 : i32
    scf.for %scan3A_18 = %scan3A_0 to %scan3A_2 step %scan3A_3  : i32 {
      %mul3A = arith.constant 640 : i32
      %mul3A_19 = arith.muli %arg1, %mul3A : i32
      %mul3A_20 = arith.constant 80 : i32
      %mul3A_21 = arith.muli %scan3A_18, %mul3A_20 : i32
      %add3A = arith.addi %mul3A_19, %mul3A_21 : i32
      "tpu.region"() ({
        %run_scoped3A = tpu.sem_alloc : memref<!tpu.dma_semaphore, #tpu.memory_space<semaphore_mem>>
        %dma_start3A = arith.constant 0 : i32
        %dma_start3A_22 = tpu.memref_slice %arg13[%add3A, %dma_start3A] : memref<10240x128xf32, #tpu.memory_space<vmem_shared>> -> memref<80x128xf32, #tpu.memory_space<vmem_shared>>
        %dma_start3A_23 = arith.constant 0 : i32
        %dma_start3A_24 = tpu.memref_slice %arg13[%add3A, %dma_start3A_23] : memref<10240x128xf32, #tpu.memory_space<vmem_shared>> -> memref<80x128xf32, #tpu.memory_space<vmem_shared>>
        tpu.enqueue_dma source(%arg12 : memref<80x128xf32, #tpu.memory_space<vmem>>) target(%dma_start3A_24 : memref<80x128xf32, #tpu.memory_space<vmem_shared>>) target_semaphore(%run_scoped3A : memref<!tpu.dma_semaphore, #tpu.memory_space<semaphore_mem>>)
        %dma_wait3A = arith.constant 0 : i32
        %dma_wait3A_25 = tpu.memref_slice %arg13[%add3A, %dma_wait3A] : memref<10240x128xf32, #tpu.memory_space<vmem_shared>> -> memref<80x128xf32, #tpu.memory_space<vmem_shared>>
        %dma_wait3A_26 = arith.constant 0 : i32
        %dma_wait3A_27 = tpu.memref_slice %arg13[%add3A, %dma_wait3A_26] : memref<10240x128xf32, #tpu.memory_space<vmem_shared>> -> memref<80x128xf32, #tpu.memory_space<vmem_shared>>
        tpu.wait_dma2 semaphore(%run_scoped3A : memref<!tpu.dma_semaphore, #tpu.memory_space<semaphore_mem>>) src(%arg12 : memref<80x128xf32, #tpu.memory_space<vmem>>) dst(%dma_wait3A_27 : memref<80x128xf32, #tpu.memory_space<vmem_shared>>)
        tpu.yield
      }) : () -> ()
    }
    %scan3A_4 = arith.constant 8 : i32
    %barrier3A = arith.constant 0 : index
    tpu.barrier barrier_id(%barrier3A)
    %scan3A_5 = arith.constant 0 : i32
    %scan3A_6 = arith.constant 0 : i32
    %scan3A_7 = arith.constant 125 : i32
    %scan3A_8 = arith.addi %scan3A_6, %scan3A_7 : i32
    %scan3A_9 = arith.constant 1 : i32
    scf.for %scan3A_18 = %scan3A_6 to %scan3A_8 step %scan3A_9  : i32 {
      "tpu.region"() ({
        %run_scoped3A = tpu.sem_alloc : memref<!tpu.dma_semaphore, #tpu.memory_space<semaphore_mem>>
        %dma_start3A_29 = arith.constant 0 : i32
        %dma_start3A_30 = tpu.memref_slice %arg2[%arg0, %arg1, %scan3A_18, %dma_start3A_29] : memref<2x16x125x80xi32, #tpu.memory_space<hbm>> -> memref<1x1x1x80xi32, #tpu.memory_space<hbm>>
        %dma_start3A_31 = tpu.memref_squeeze %dma_start3A_30 : memref<1x1x1x80xi32, #tpu.memory_space<hbm>> -> memref<80xi32, #tpu.memory_space<hbm>>
        %dma_start3A_32 = arith.constant 0 : i32
        %dma_start3A_33 = tpu.memref_slice %arg2[%arg0, %arg1, %scan3A_18, %dma_start3A_32] : memref<2x16x125x80xi32, #tpu.memory_space<hbm>> -> memref<1x1x1x80xi32, #tpu.memory_space<hbm>>
        %dma_start3A_34 = tpu.memref_squeeze %dma_start3A_33 : memref<1x1x1x80xi32, #tpu.memory_space<hbm>> -> memref<80xi32, #tpu.memory_space<hbm>>
        tpu.enqueue_dma source(%dma_start3A_34 : memref<80xi32, #tpu.memory_space<hbm>>) target(%arg8 : memref<80xi32, #tpu.memory_space<vmem>>) target_semaphore(%run_scoped3A : memref<!tpu.dma_semaphore, #tpu.memory_space<semaphore_mem>>)
        %dma_wait3A_35 = arith.constant 0 : i32
        %dma_wait3A_36 = tpu.memref_slice %arg2[%arg0, %arg1, %scan3A_18, %dma_wait3A_35] : memref<2x16x125x80xi32, #tpu.memory_space<hbm>> -> memref<1x1x1x80xi32, #tpu.memory_space<hbm>>
        %dma_wait3A_37 = tpu.memref_squeeze %dma_wait3A_36 : memref<1x1x1x80xi32, #tpu.memory_space<hbm>> -> memref<80xi32, #tpu.memory_space<hbm>>
        %dma_wait3A_38 = arith.constant 0 : i32
        %dma_wait3A_39 = tpu.memref_slice %arg2[%arg0, %arg1, %scan3A_18, %dma_wait3A_38] : memref<2x16x125x80xi32, #tpu.memory_space<hbm>> -> memref<1x1x1x80xi32, #tpu.memory_space<hbm>>
        %dma_wait3A_40 = tpu.memref_squeeze %dma_wait3A_39 : memref<1x1x1x80xi32, #tpu.memory_space<hbm>> -> memref<80xi32, #tpu.memory_space<hbm>>
        tpu.wait_dma2 semaphore(%run_scoped3A : memref<!tpu.dma_semaphore, #tpu.memory_space<semaphore_mem>>) src(%dma_wait3A_40 : memref<80xi32, #tpu.memory_space<hbm>>) dst(%arg8 : memref<80xi32, #tpu.memory_space<vmem>>)
        tpu.yield
      }) : () -> ()
      "tpu.region"() ({
        %run_scoped3A = tpu.sem_alloc : memref<!tpu.dma_semaphore, #tpu.memory_space<semaphore_mem>>
        %dma_start3A_29 = arith.constant 0 : i32
        %dma_start3A_30 = tpu.memref_slice %arg3[%arg0, %arg1, %scan3A_18, %dma_start3A_29] : memref<2x16x125x80xi32, #tpu.memory_space<hbm>> -> memref<1x1x1x80xi32, #tpu.memory_space<hbm>>
        %dma_start3A_31 = tpu.memref_squeeze %dma_start3A_30 : memref<1x1x1x80xi32, #tpu.memory_space<hbm>> -> memref<80xi32, #tpu.memory_space<hbm>>
        %dma_start3A_32 = arith.constant 0 : i32
        %dma_start3A_33 = tpu.memref_slice %arg3[%arg0, %arg1, %scan3A_18, %dma_start3A_32] : memref<2x16x125x80xi32, #tpu.memory_space<hbm>> -> memref<1x1x1x80xi32, #tpu.memory_space<hbm>>
        %dma_start3A_34 = tpu.memref_squeeze %dma_start3A_33 : memref<1x1x1x80xi32, #tpu.memory_space<hbm>> -> memref<80xi32, #tpu.memory_space<hbm>>
        tpu.enqueue_dma source(%dma_start3A_34 : memref<80xi32, #tpu.memory_space<hbm>>) target(%arg9 : memref<80xi32, #tpu.memory_space<vmem>>) target_semaphore(%run_scoped3A : memref<!tpu.dma_semaphore, #tpu.memory_space<semaphore_mem>>)
        %dma_wait3A_35 = arith.constant 0 : i32
        %dma_wait3A_36 = tpu.memref_slice %arg3[%arg0, %arg1, %scan3A_18, %dma_wait3A_35] : memref<2x16x125x80xi32, #tpu.memory_space<hbm>> -> memref<1x1x1x80xi32, #tpu.memory_space<hbm>>
        %dma_wait3A_37 = tpu.memref_squeeze %dma_wait3A_36 : memref<1x1x1x80xi32, #tpu.memory_space<hbm>> -> memref<80xi32, #tpu.memory_space<hbm>>
        %dma_wait3A_38 = arith.constant 0 : i32
        %dma_wait3A_39 = tpu.memref_slice %arg3[%arg0, %arg1, %scan3A_18, %dma_wait3A_38] : memref<2x16x125x80xi32, #tpu.memory_space<hbm>> -> memref<1x1x1x80xi32, #tpu.memory_space<hbm>>
        %dma_wait3A_40 = tpu.memref_squeeze %dma_wait3A_39 : memref<1x1x1x80xi32, #tpu.memory_space<hbm>> -> memref<80xi32, #tpu.memory_space<hbm>>
        tpu.wait_dma2 semaphore(%run_scoped3A : memref<!tpu.dma_semaphore, #tpu.memory_space<semaphore_mem>>) src(%dma_wait3A_40 : memref<80xi32, #tpu.memory_space<hbm>>) dst(%arg9 : memref<80xi32, #tpu.memory_space<vmem>>)
        tpu.yield
      }) : () -> ()
      %dma_start3A = arith.constant 0 : i32
      %dma_start3A_19 = arith.constant 0 : i32
      %dma_start3A_20 = tpu.memref_slice %arg13[%dma_start3A, %dma_start3A_19] : memref<10240x128xf32, #tpu.memory_space<vmem_shared>> -> memref<10240x128xf32, #tpu.memory_space<vmem_shared>>
      tpu.enqueue_indirect_dma source(%arg10 : memref<80x128xf32, #tpu.memory_space<vmem>>) target(%dma_start3A_20 : memref<10240x128xf32, #tpu.memory_space<vmem_shared>>) offsets(%arg8 : memref<80xi32, #tpu.memory_space<vmem>>) semaphore(%arg14 : memref<!tpu.dma_semaphore, #tpu.memory_space<semaphore_mem>>) {add = true}
      %dma_start3A_21 = arith.constant 0 : i32
      %dma_start3A_22 = arith.constant 0 : i32
      %dma_start3A_23 = tpu.memref_slice %arg13[%dma_start3A_21, %dma_start3A_22] : memref<10240x128xf32, #tpu.memory_space<vmem_shared>> -> memref<10240x128xf32, #tpu.memory_space<vmem_shared>>
      tpu.enqueue_indirect_dma source(%arg11 : memref<80x128xf32, #tpu.memory_space<vmem>>) target(%dma_start3A_23 : memref<10240x128xf32, #tpu.memory_space<vmem_shared>>) offsets(%arg9 : memref<80xi32, #tpu.memory_space<vmem>>) semaphore(%arg15 : memref<!tpu.dma_semaphore, #tpu.memory_space<semaphore_mem>>) {add = true}
      %dma_wait3A = arith.constant 0 : i32
      %dma_wait3A_24 = arith.constant 0 : i32
      %dma_wait3A_25 = tpu.memref_slice %arg13[%dma_wait3A, %dma_wait3A_24] : memref<10240x128xf32, #tpu.memory_space<vmem_shared>> -> memref<10240x128xf32, #tpu.memory_space<vmem_shared>>
      tpu.wait_indirect_dma semaphore(%arg14 : memref<!tpu.dma_semaphore, #tpu.memory_space<semaphore_mem>>) src(%arg10 : memref<80x128xf32, #tpu.memory_space<vmem>>) dst(%dma_wait3A_25 : memref<10240x128xf32, #tpu.memory_space<vmem_shared>>)
      %dma_wait3A_26 = arith.constant 0 : i32
      %dma_wait3A_27 = arith.constant 0 : i32
      %dma_wait3A_28 = tpu.memref_slice %arg13[%dma_wait3A_26, %dma_wait3A_27] : memref<10240x128xf32, #tpu.memory_space<vmem_shared>> -> memref<10240x128xf32, #tpu.memory_space<vmem_shared>>
      tpu.wait_indirect_dma semaphore(%arg15 : memref<!tpu.dma_semaphore, #tpu.memory_space<semaphore_mem>>) src(%arg11 : memref<80x128xf32, #tpu.memory_space<vmem>>) dst(%dma_wait3A_28 : memref<10240x128xf32, #tpu.memory_space<vmem_shared>>)
    }
    %scan3A_10 = arith.constant 125 : i32
    %barrier3A_11 = arith.constant 0 : index
    tpu.barrier barrier_id(%barrier3A_11)
    %scan3A_12 = arith.constant 0 : i32
    %scan3A_13 = arith.constant 0 : i32
    %scan3A_14 = arith.constant 8 : i32
    %scan3A_15 = arith.addi %scan3A_13, %scan3A_14 : i32
    %scan3A_16 = arith.constant 1 : i32
    scf.for %scan3A_18 = %scan3A_13 to %scan3A_15 step %scan3A_16  : i32 {
      %mul3A = arith.constant 640 : i32
      %mul3A_19 = arith.muli %arg1, %mul3A : i32
      %mul3A_20 = arith.constant 80 : i32
      %mul3A_21 = arith.muli %scan3A_18, %mul3A_20 : i32
      %add3A = arith.addi %mul3A_19, %mul3A_21 : i32
      "tpu.region"() ({
        %run_scoped3A = tpu.sem_alloc : memref<!tpu.dma_semaphore, #tpu.memory_space<semaphore_mem>>
        %dma_start3A = arith.constant 0 : i32
        %dma_start3A_22 = tpu.memref_slice %arg13[%add3A, %dma_start3A] : memref<10240x128xf32, #tpu.memory_space<vmem_shared>> -> memref<80x128xf32, #tpu.memory_space<vmem_shared>>
        %dma_start3A_23 = arith.constant 0 : i32
        %dma_start3A_24 = tpu.memref_slice %arg13[%add3A, %dma_start3A_23] : memref<10240x128xf32, #tpu.memory_space<vmem_shared>> -> memref<80x128xf32, #tpu.memory_space<vmem_shared>>
        tpu.enqueue_dma source(%dma_start3A_24 : memref<80x128xf32, #tpu.memory_space<vmem_shared>>) target(%arg12 : memref<80x128xf32, #tpu.memory_space<vmem>>) target_semaphore(%run_scoped3A : memref<!tpu.dma_semaphore, #tpu.memory_space<semaphore_mem>>)
        %dma_wait3A = arith.constant 0 : i32
        %dma_wait3A_25 = tpu.memref_slice %arg13[%add3A, %dma_wait3A] : memref<10240x128xf32, #tpu.memory_space<vmem_shared>> -> memref<80x128xf32, #tpu.memory_space<vmem_shared>>
        %dma_wait3A_26 = arith.constant 0 : i32
        %dma_wait3A_27 = tpu.memref_slice %arg13[%add3A, %dma_wait3A_26] : memref<10240x128xf32, #tpu.memory_space<vmem_shared>> -> memref<80x128xf32, #tpu.memory_space<vmem_shared>>
        tpu.wait_dma2 semaphore(%run_scoped3A : memref<!tpu.dma_semaphore, #tpu.memory_space<semaphore_mem>>) src(%dma_wait3A_27 : memref<80x128xf32, #tpu.memory_space<vmem_shared>>) dst(%arg12 : memref<80x128xf32, #tpu.memory_space<vmem>>)
        tpu.yield
      }) : () -> ()
      "tpu.region"() ({
        %run_scoped3A = tpu.sem_alloc : memref<!tpu.dma_semaphore, #tpu.memory_space<semaphore_mem>>
        %dma_start3A = arith.constant 0 : i32
        %dma_start3A_22 = arith.constant 0 : i32
        %dma_start3A_23 = tpu.memref_slice %arg7[%arg0, %arg1, %scan3A_18, %dma_start3A, %dma_start3A_22] : memref<2x16x8x80x128xf32, #tpu.memory_space<hbm>> -> memref<1x1x1x80x128xf32, #tpu.memory_space<hbm>>
        %dma_start3A_24 = tpu.memref_squeeze %dma_start3A_23 : memref<1x1x1x80x128xf32, #tpu.memory_space<hbm>> -> memref<80x128xf32, #tpu.memory_space<hbm>>
        %dma_start3A_25 = arith.constant 0 : i32
        %dma_start3A_26 = arith.constant 0 : i32
        %dma_start3A_27 = tpu.memref_slice %arg7[%arg0, %arg1, %scan3A_18, %dma_start3A_25, %dma_start3A_26] : memref<2x16x8x80x128xf32, #tpu.memory_space<hbm>> -> memref<1x1x1x80x128xf32, #tpu.memory_space<hbm>>
        %dma_start3A_28 = tpu.memref_squeeze %dma_start3A_27 : memref<1x1x1x80x128xf32, #tpu.memory_space<hbm>> -> memref<80x128xf32, #tpu.memory_space<hbm>>
        tpu.enqueue_dma source(%arg12 : memref<80x128xf32, #tpu.memory_space<vmem>>) target(%dma_start3A_28 : memref<80x128xf32, #tpu.memory_space<hbm>>) target_semaphore(%run_scoped3A : memref<!tpu.dma_semaphore, #tpu.memory_space<semaphore_mem>>)
        %dma_wait3A = arith.constant 0 : i32
        %dma_wait3A_29 = arith.constant 0 : i32
        %dma_wait3A_30 = tpu.memref_slice %arg7[%arg0, %arg1, %scan3A_18, %dma_wait3A, %dma_wait3A_29] : memref<2x16x8x80x128xf32, #tpu.memory_space<hbm>> -> memref<1x1x1x80x128xf32, #tpu.memory_space<hbm>>
        %dma_wait3A_31 = tpu.memref_squeeze %dma_wait3A_30 : memref<1x1x1x80x128xf32, #tpu.memory_space<hbm>> -> memref<80x128xf32, #tpu.memory_space<hbm>>
        %dma_wait3A_32 = arith.constant 0 : i32
        %dma_wait3A_33 = arith.constant 0 : i32
        %dma_wait3A_34 = tpu.memref_slice %arg7[%arg0, %arg1, %scan3A_18, %dma_wait3A_32, %dma_wait3A_33] : memref<2x16x8x80x128xf32, #tpu.memory_space<hbm>> -> memref<1x1x1x80x128xf32, #tpu.memory_space<hbm>>
        %dma_wait3A_35 = tpu.memref_squeeze %dma_wait3A_34 : memref<1x1x1x80x128xf32, #tpu.memory_space<hbm>> -> memref<80x128xf32, #tpu.memory_space<hbm>>
        tpu.wait_dma2 semaphore(%run_scoped3A : memref<!tpu.dma_semaphore, #tpu.memory_space<semaphore_mem>>) src(%arg12 : memref<80x128xf32, #tpu.memory_space<vmem>>) dst(%dma_wait3A_35 : memref<80x128xf32, #tpu.memory_space<hbm>>)
        tpu.yield
      }) : () -> ()
    }
    %scan3A_17 = arith.constant 8 : i32
    return
  }
}

#map = affine_map<(d0, d1) -> (0, 0)>
#map1 = affine_map<(d0, d1) -> (0, 0, 0, 0)>
#map2 = affine_map<(d0, d1) -> (0, 0, 0, 0, 0)>
module attributes {stable_mosaic.version = 14 : i64} {
  func.func @_agg(%arg0: i32, %arg1: i32, %arg2: memref<10000x128xf32, #tpu.memory_space<hbm>>, %arg3: memref<2x16x125x80xi32, #tpu.memory_space<hbm>>, %arg4: memref<2x16x125x80xi32, #tpu.memory_space<hbm>>, %arg5: memref<80x128xf32, #tpu.memory_space<hbm>>, %arg6: memref<2x16x8x80x128xf32, #tpu.memory_space<hbm>>, %arg7: memref<125x80xi32, #tpu.memory_space<vmem>>, %arg8: memref<125x80xi32, #tpu.memory_space<vmem>>, %arg9: memref<80x128xf32, #tpu.memory_space<vmem>>, %arg10: memref<10240x128xf32, #tpu.memory_space<vmem_shared>>, %arg11: memref<!tpu.dma_semaphore, #tpu.memory_space<semaphore_mem>>) attributes {dimension_semantics = [#tpu.dimension_semantics<core_parallel>, #tpu.dimension_semantics<subcore_parallel>], iteration_bounds = array<i64: 2, 16>, scalar_prefetch = 0 : i64, scratch_operands = 5 : i64, tpu.core_type = #tpu.core_type<sc_vector_subcore>, window_params = [{transform_indices = #map}, {transform_indices = #map1}, {transform_indices = #map1}, {transform_indices = #map}, {transform_indices = #map2}]} {
    "tpu.region"() ({
      %run_scoped3A = tpu.sem_alloc : memref<!tpu.dma_semaphore, #tpu.memory_space<semaphore_mem>>
      %dma_start3A = arith.constant 0 : i32
      %dma_start3A_18 = arith.constant 0 : i32
      %dma_start3A_19 = tpu.memref_slice %arg3[%arg0, %arg1, %dma_start3A, %dma_start3A_18] : memref<2x16x125x80xi32, #tpu.memory_space<hbm>> -> memref<1x1x125x80xi32, #tpu.memory_space<hbm>>
      %dma_start3A_20 = tpu.memref_squeeze %dma_start3A_19 : memref<1x1x125x80xi32, #tpu.memory_space<hbm>> -> memref<125x80xi32, #tpu.memory_space<hbm>>
      %dma_start3A_21 = arith.constant 0 : i32
      %dma_start3A_22 = arith.constant 0 : i32
      %dma_start3A_23 = tpu.memref_slice %arg3[%arg0, %arg1, %dma_start3A_21, %dma_start3A_22] : memref<2x16x125x80xi32, #tpu.memory_space<hbm>> -> memref<1x1x125x80xi32, #tpu.memory_space<hbm>>
      %dma_start3A_24 = tpu.memref_squeeze %dma_start3A_23 : memref<1x1x125x80xi32, #tpu.memory_space<hbm>> -> memref<125x80xi32, #tpu.memory_space<hbm>>
      tpu.enqueue_dma source(%dma_start3A_24 : memref<125x80xi32, #tpu.memory_space<hbm>>) target(%arg7 : memref<125x80xi32, #tpu.memory_space<vmem>>) target_semaphore(%run_scoped3A : memref<!tpu.dma_semaphore, #tpu.memory_space<semaphore_mem>>)
      %dma_wait3A = arith.constant 0 : i32
      %dma_wait3A_25 = arith.constant 0 : i32
      %dma_wait3A_26 = tpu.memref_slice %arg3[%arg0, %arg1, %dma_wait3A, %dma_wait3A_25] : memref<2x16x125x80xi32, #tpu.memory_space<hbm>> -> memref<1x1x125x80xi32, #tpu.memory_space<hbm>>
      %dma_wait3A_27 = tpu.memref_squeeze %dma_wait3A_26 : memref<1x1x125x80xi32, #tpu.memory_space<hbm>> -> memref<125x80xi32, #tpu.memory_space<hbm>>
      %dma_wait3A_28 = arith.constant 0 : i32
      %dma_wait3A_29 = arith.constant 0 : i32
      %dma_wait3A_30 = tpu.memref_slice %arg3[%arg0, %arg1, %dma_wait3A_28, %dma_wait3A_29] : memref<2x16x125x80xi32, #tpu.memory_space<hbm>> -> memref<1x1x125x80xi32, #tpu.memory_space<hbm>>
      %dma_wait3A_31 = tpu.memref_squeeze %dma_wait3A_30 : memref<1x1x125x80xi32, #tpu.memory_space<hbm>> -> memref<125x80xi32, #tpu.memory_space<hbm>>
      tpu.wait_dma2 semaphore(%run_scoped3A : memref<!tpu.dma_semaphore, #tpu.memory_space<semaphore_mem>>) src(%dma_wait3A_31 : memref<125x80xi32, #tpu.memory_space<hbm>>) dst(%arg7 : memref<125x80xi32, #tpu.memory_space<vmem>>)
      tpu.yield
    }) : () -> ()
    "tpu.region"() ({
      %run_scoped3A = tpu.sem_alloc : memref<!tpu.dma_semaphore, #tpu.memory_space<semaphore_mem>>
      %dma_start3A = arith.constant 0 : i32
      %dma_start3A_18 = arith.constant 0 : i32
      %dma_start3A_19 = tpu.memref_slice %arg4[%arg0, %arg1, %dma_start3A, %dma_start3A_18] : memref<2x16x125x80xi32, #tpu.memory_space<hbm>> -> memref<1x1x125x80xi32, #tpu.memory_space<hbm>>
      %dma_start3A_20 = tpu.memref_squeeze %dma_start3A_19 : memref<1x1x125x80xi32, #tpu.memory_space<hbm>> -> memref<125x80xi32, #tpu.memory_space<hbm>>
      %dma_start3A_21 = arith.constant 0 : i32
      %dma_start3A_22 = arith.constant 0 : i32
      %dma_start3A_23 = tpu.memref_slice %arg4[%arg0, %arg1, %dma_start3A_21, %dma_start3A_22] : memref<2x16x125x80xi32, #tpu.memory_space<hbm>> -> memref<1x1x125x80xi32, #tpu.memory_space<hbm>>
      %dma_start3A_24 = tpu.memref_squeeze %dma_start3A_23 : memref<1x1x125x80xi32, #tpu.memory_space<hbm>> -> memref<125x80xi32, #tpu.memory_space<hbm>>
      tpu.enqueue_dma source(%dma_start3A_24 : memref<125x80xi32, #tpu.memory_space<hbm>>) target(%arg8 : memref<125x80xi32, #tpu.memory_space<vmem>>) target_semaphore(%run_scoped3A : memref<!tpu.dma_semaphore, #tpu.memory_space<semaphore_mem>>)
      %dma_wait3A = arith.constant 0 : i32
      %dma_wait3A_25 = arith.constant 0 : i32
      %dma_wait3A_26 = tpu.memref_slice %arg4[%arg0, %arg1, %dma_wait3A, %dma_wait3A_25] : memref<2x16x125x80xi32, #tpu.memory_space<hbm>> -> memref<1x1x125x80xi32, #tpu.memory_space<hbm>>
      %dma_wait3A_27 = tpu.memref_squeeze %dma_wait3A_26 : memref<1x1x125x80xi32, #tpu.memory_space<hbm>> -> memref<125x80xi32, #tpu.memory_space<hbm>>
      %dma_wait3A_28 = arith.constant 0 : i32
      %dma_wait3A_29 = arith.constant 0 : i32
      %dma_wait3A_30 = tpu.memref_slice %arg4[%arg0, %arg1, %dma_wait3A_28, %dma_wait3A_29] : memref<2x16x125x80xi32, #tpu.memory_space<hbm>> -> memref<1x1x125x80xi32, #tpu.memory_space<hbm>>
      %dma_wait3A_31 = tpu.memref_squeeze %dma_wait3A_30 : memref<1x1x125x80xi32, #tpu.memory_space<hbm>> -> memref<125x80xi32, #tpu.memory_space<hbm>>
      tpu.wait_dma2 semaphore(%run_scoped3A : memref<!tpu.dma_semaphore, #tpu.memory_space<semaphore_mem>>) src(%dma_wait3A_31 : memref<125x80xi32, #tpu.memory_space<hbm>>) dst(%arg8 : memref<125x80xi32, #tpu.memory_space<vmem>>)
      tpu.yield
    }) : () -> ()
    "tpu.region"() ({
      %run_scoped3A = tpu.sem_alloc : memref<!tpu.dma_semaphore, #tpu.memory_space<semaphore_mem>>
      tpu.enqueue_dma source(%arg5 : memref<80x128xf32, #tpu.memory_space<hbm>>) target(%arg9 : memref<80x128xf32, #tpu.memory_space<vmem>>) target_semaphore(%run_scoped3A : memref<!tpu.dma_semaphore, #tpu.memory_space<semaphore_mem>>)
      tpu.wait_dma2 semaphore(%run_scoped3A : memref<!tpu.dma_semaphore, #tpu.memory_space<semaphore_mem>>) src(%arg5 : memref<80x128xf32, #tpu.memory_space<hbm>>) dst(%arg9 : memref<80x128xf32, #tpu.memory_space<vmem>>)
      tpu.yield
    }) : () -> ()
    %scan3A = arith.constant 0 : i32
    %scan3A_0 = arith.constant 0 : i32
    %scan3A_1 = arith.constant 8 : i32
    %scan3A_2 = arith.addi %scan3A_0, %scan3A_1 : i32
    %scan3A_3 = arith.constant 1 : i32
    scf.for %scan3A_18 = %scan3A_0 to %scan3A_2 step %scan3A_3  : i32 {
      %mul3A = arith.constant 640 : i32
      %mul3A_19 = arith.muli %arg1, %mul3A : i32
      %mul3A_20 = arith.constant 80 : i32
      %mul3A_21 = arith.muli %scan3A_18, %mul3A_20 : i32
      %add3A = arith.addi %mul3A_19, %mul3A_21 : i32
      "tpu.region"() ({
        %run_scoped3A = tpu.sem_alloc : memref<!tpu.dma_semaphore, #tpu.memory_space<semaphore_mem>>
        %dma_start3A = arith.constant 0 : i32
        %dma_start3A_22 = tpu.memref_slice %arg10[%add3A, %dma_start3A] : memref<10240x128xf32, #tpu.memory_space<vmem_shared>> -> memref<80x128xf32, #tpu.memory_space<vmem_shared>>
        %dma_start3A_23 = arith.constant 0 : i32
        %dma_start3A_24 = tpu.memref_slice %arg10[%add3A, %dma_start3A_23] : memref<10240x128xf32, #tpu.memory_space<vmem_shared>> -> memref<80x128xf32, #tpu.memory_space<vmem_shared>>
        tpu.enqueue_dma source(%arg9 : memref<80x128xf32, #tpu.memory_space<vmem>>) target(%dma_start3A_24 : memref<80x128xf32, #tpu.memory_space<vmem_shared>>) target_semaphore(%run_scoped3A : memref<!tpu.dma_semaphore, #tpu.memory_space<semaphore_mem>>)
        %dma_wait3A = arith.constant 0 : i32
        %dma_wait3A_25 = tpu.memref_slice %arg10[%add3A, %dma_wait3A] : memref<10240x128xf32, #tpu.memory_space<vmem_shared>> -> memref<80x128xf32, #tpu.memory_space<vmem_shared>>
        %dma_wait3A_26 = arith.constant 0 : i32
        %dma_wait3A_27 = tpu.memref_slice %arg10[%add3A, %dma_wait3A_26] : memref<10240x128xf32, #tpu.memory_space<vmem_shared>> -> memref<80x128xf32, #tpu.memory_space<vmem_shared>>
        tpu.wait_dma2 semaphore(%run_scoped3A : memref<!tpu.dma_semaphore, #tpu.memory_space<semaphore_mem>>) src(%arg9 : memref<80x128xf32, #tpu.memory_space<vmem>>) dst(%dma_wait3A_27 : memref<80x128xf32, #tpu.memory_space<vmem_shared>>)
        tpu.yield
      }) : () -> ()
    }
    %scan3A_4 = arith.constant 8 : i32
    %barrier3A = arith.constant 0 : index
    tpu.barrier barrier_id(%barrier3A)
    %scan3A_5 = arith.constant 0 : i32
    %scan3A_6 = arith.constant 0 : i32
    %scan3A_7 = arith.constant 125 : i32
    %scan3A_8 = arith.addi %scan3A_6, %scan3A_7 : i32
    %scan3A_9 = arith.constant 1 : i32
    scf.for %scan3A_18 = %scan3A_6 to %scan3A_8 step %scan3A_9  : i32 {
      %dma_start3A = arith.constant 0 : i32
      %dma_start3A_19 = tpu.memref_slice %arg7[%scan3A_18, %dma_start3A] : memref<125x80xi32, #tpu.memory_space<vmem>> -> memref<1x80xi32, #tpu.memory_space<vmem>>
      %dma_start3A_20 = tpu.memref_squeeze %dma_start3A_19 : memref<1x80xi32, #tpu.memory_space<vmem>> -> memref<80xi32, #tpu.memory_space<vmem>>
      %dma_start3A_21 = arith.constant 0 : i32
      %dma_start3A_22 = arith.constant 0 : i32
      %dma_start3A_23 = tpu.memref_slice %arg2[%dma_start3A_21, %dma_start3A_22] : memref<10000x128xf32, #tpu.memory_space<hbm>> -> memref<10000x128xf32, #tpu.memory_space<hbm>>
      tpu.enqueue_indirect_dma source(%dma_start3A_23 : memref<10000x128xf32, #tpu.memory_space<hbm>>) target(%arg9 : memref<80x128xf32, #tpu.memory_space<vmem>>) offsets(%dma_start3A_20 : memref<80xi32, #tpu.memory_space<vmem>>) semaphore(%arg11 : memref<!tpu.dma_semaphore, #tpu.memory_space<semaphore_mem>>)
      %dma_wait3A = arith.constant 0 : i32
      %dma_wait3A_24 = tpu.memref_slice %arg7[%scan3A_18, %dma_wait3A] : memref<125x80xi32, #tpu.memory_space<vmem>> -> memref<1x80xi32, #tpu.memory_space<vmem>>
      %dma_wait3A_25 = tpu.memref_squeeze %dma_wait3A_24 : memref<1x80xi32, #tpu.memory_space<vmem>> -> memref<80xi32, #tpu.memory_space<vmem>>
      %dma_wait3A_26 = arith.constant 0 : i32
      %dma_wait3A_27 = arith.constant 0 : i32
      %dma_wait3A_28 = tpu.memref_slice %arg2[%dma_wait3A_26, %dma_wait3A_27] : memref<10000x128xf32, #tpu.memory_space<hbm>> -> memref<10000x128xf32, #tpu.memory_space<hbm>>
      tpu.wait_indirect_dma semaphore(%arg11 : memref<!tpu.dma_semaphore, #tpu.memory_space<semaphore_mem>>) src(%dma_wait3A_28 : memref<10000x128xf32, #tpu.memory_space<hbm>>) dst(%arg9 : memref<80x128xf32, #tpu.memory_space<vmem>>)
      "tpu.region"() ({
        %run_scoped3A = tpu.sem_alloc : memref<!tpu.dma_semaphore, #tpu.memory_space<semaphore_mem>>
        %dma_start3A_29 = arith.constant 0 : i32
        %dma_start3A_30 = tpu.memref_slice %arg8[%scan3A_18, %dma_start3A_29] : memref<125x80xi32, #tpu.memory_space<vmem>> -> memref<1x80xi32, #tpu.memory_space<vmem>>
        %dma_start3A_31 = tpu.memref_squeeze %dma_start3A_30 : memref<1x80xi32, #tpu.memory_space<vmem>> -> memref<80xi32, #tpu.memory_space<vmem>>
        %dma_start3A_32 = arith.constant 0 : i32
        %dma_start3A_33 = arith.constant 0 : i32
        %dma_start3A_34 = tpu.memref_slice %arg10[%dma_start3A_32, %dma_start3A_33] : memref<10240x128xf32, #tpu.memory_space<vmem_shared>> -> memref<10240x128xf32, #tpu.memory_space<vmem_shared>>
        tpu.enqueue_indirect_dma source(%arg9 : memref<80x128xf32, #tpu.memory_space<vmem>>) target(%dma_start3A_34 : memref<10240x128xf32, #tpu.memory_space<vmem_shared>>) offsets(%dma_start3A_31 : memref<80xi32, #tpu.memory_space<vmem>>) semaphore(%run_scoped3A : memref<!tpu.dma_semaphore, #tpu.memory_space<semaphore_mem>>) {add = true}
        %dma_wait3A_35 = arith.constant 0 : i32
        %dma_wait3A_36 = tpu.memref_slice %arg8[%scan3A_18, %dma_wait3A_35] : memref<125x80xi32, #tpu.memory_space<vmem>> -> memref<1x80xi32, #tpu.memory_space<vmem>>
        %dma_wait3A_37 = tpu.memref_squeeze %dma_wait3A_36 : memref<1x80xi32, #tpu.memory_space<vmem>> -> memref<80xi32, #tpu.memory_space<vmem>>
        %dma_wait3A_38 = arith.constant 0 : i32
        %dma_wait3A_39 = arith.constant 0 : i32
        %dma_wait3A_40 = tpu.memref_slice %arg10[%dma_wait3A_38, %dma_wait3A_39] : memref<10240x128xf32, #tpu.memory_space<vmem_shared>> -> memref<10240x128xf32, #tpu.memory_space<vmem_shared>>
        tpu.wait_indirect_dma semaphore(%run_scoped3A : memref<!tpu.dma_semaphore, #tpu.memory_space<semaphore_mem>>) src(%arg9 : memref<80x128xf32, #tpu.memory_space<vmem>>) dst(%dma_wait3A_40 : memref<10240x128xf32, #tpu.memory_space<vmem_shared>>)
        tpu.yield
      }) : () -> ()
    }
    %scan3A_10 = arith.constant 125 : i32
    %barrier3A_11 = arith.constant 0 : index
    tpu.barrier barrier_id(%barrier3A_11)
    %scan3A_12 = arith.constant 0 : i32
    %scan3A_13 = arith.constant 0 : i32
    %scan3A_14 = arith.constant 8 : i32
    %scan3A_15 = arith.addi %scan3A_13, %scan3A_14 : i32
    %scan3A_16 = arith.constant 1 : i32
    scf.for %scan3A_18 = %scan3A_13 to %scan3A_15 step %scan3A_16  : i32 {
      %mul3A = arith.constant 640 : i32
      %mul3A_19 = arith.muli %arg1, %mul3A : i32
      %mul3A_20 = arith.constant 80 : i32
      %mul3A_21 = arith.muli %scan3A_18, %mul3A_20 : i32
      %add3A = arith.addi %mul3A_19, %mul3A_21 : i32
      "tpu.region"() ({
        %run_scoped3A = tpu.sem_alloc : memref<!tpu.dma_semaphore, #tpu.memory_space<semaphore_mem>>
        %dma_start3A = arith.constant 0 : i32
        %dma_start3A_22 = tpu.memref_slice %arg10[%add3A, %dma_start3A] : memref<10240x128xf32, #tpu.memory_space<vmem_shared>> -> memref<80x128xf32, #tpu.memory_space<vmem_shared>>
        %dma_start3A_23 = arith.constant 0 : i32
        %dma_start3A_24 = tpu.memref_slice %arg10[%add3A, %dma_start3A_23] : memref<10240x128xf32, #tpu.memory_space<vmem_shared>> -> memref<80x128xf32, #tpu.memory_space<vmem_shared>>
        tpu.enqueue_dma source(%dma_start3A_24 : memref<80x128xf32, #tpu.memory_space<vmem_shared>>) target(%arg9 : memref<80x128xf32, #tpu.memory_space<vmem>>) target_semaphore(%run_scoped3A : memref<!tpu.dma_semaphore, #tpu.memory_space<semaphore_mem>>)
        %dma_wait3A = arith.constant 0 : i32
        %dma_wait3A_25 = tpu.memref_slice %arg10[%add3A, %dma_wait3A] : memref<10240x128xf32, #tpu.memory_space<vmem_shared>> -> memref<80x128xf32, #tpu.memory_space<vmem_shared>>
        %dma_wait3A_26 = arith.constant 0 : i32
        %dma_wait3A_27 = tpu.memref_slice %arg10[%add3A, %dma_wait3A_26] : memref<10240x128xf32, #tpu.memory_space<vmem_shared>> -> memref<80x128xf32, #tpu.memory_space<vmem_shared>>
        tpu.wait_dma2 semaphore(%run_scoped3A : memref<!tpu.dma_semaphore, #tpu.memory_space<semaphore_mem>>) src(%dma_wait3A_27 : memref<80x128xf32, #tpu.memory_space<vmem_shared>>) dst(%arg9 : memref<80x128xf32, #tpu.memory_space<vmem>>)
        tpu.yield
      }) : () -> ()
      "tpu.region"() ({
        %run_scoped3A = tpu.sem_alloc : memref<!tpu.dma_semaphore, #tpu.memory_space<semaphore_mem>>
        %dma_start3A = arith.constant 0 : i32
        %dma_start3A_22 = arith.constant 0 : i32
        %dma_start3A_23 = tpu.memref_slice %arg6[%arg0, %arg1, %scan3A_18, %dma_start3A, %dma_start3A_22] : memref<2x16x8x80x128xf32, #tpu.memory_space<hbm>> -> memref<1x1x1x80x128xf32, #tpu.memory_space<hbm>>
        %dma_start3A_24 = tpu.memref_squeeze %dma_start3A_23 : memref<1x1x1x80x128xf32, #tpu.memory_space<hbm>> -> memref<80x128xf32, #tpu.memory_space<hbm>>
        %dma_start3A_25 = arith.constant 0 : i32
        %dma_start3A_26 = arith.constant 0 : i32
        %dma_start3A_27 = tpu.memref_slice %arg6[%arg0, %arg1, %scan3A_18, %dma_start3A_25, %dma_start3A_26] : memref<2x16x8x80x128xf32, #tpu.memory_space<hbm>> -> memref<1x1x1x80x128xf32, #tpu.memory_space<hbm>>
        %dma_start3A_28 = tpu.memref_squeeze %dma_start3A_27 : memref<1x1x1x80x128xf32, #tpu.memory_space<hbm>> -> memref<80x128xf32, #tpu.memory_space<hbm>>
        tpu.enqueue_dma source(%arg9 : memref<80x128xf32, #tpu.memory_space<vmem>>) target(%dma_start3A_28 : memref<80x128xf32, #tpu.memory_space<hbm>>) target_semaphore(%run_scoped3A : memref<!tpu.dma_semaphore, #tpu.memory_space<semaphore_mem>>)
        %dma_wait3A = arith.constant 0 : i32
        %dma_wait3A_29 = arith.constant 0 : i32
        %dma_wait3A_30 = tpu.memref_slice %arg6[%arg0, %arg1, %scan3A_18, %dma_wait3A, %dma_wait3A_29] : memref<2x16x8x80x128xf32, #tpu.memory_space<hbm>> -> memref<1x1x1x80x128xf32, #tpu.memory_space<hbm>>
        %dma_wait3A_31 = tpu.memref_squeeze %dma_wait3A_30 : memref<1x1x1x80x128xf32, #tpu.memory_space<hbm>> -> memref<80x128xf32, #tpu.memory_space<hbm>>
        %dma_wait3A_32 = arith.constant 0 : i32
        %dma_wait3A_33 = arith.constant 0 : i32
        %dma_wait3A_34 = tpu.memref_slice %arg6[%arg0, %arg1, %scan3A_18, %dma_wait3A_32, %dma_wait3A_33] : memref<2x16x8x80x128xf32, #tpu.memory_space<hbm>> -> memref<1x1x1x80x128xf32, #tpu.memory_space<hbm>>
        %dma_wait3A_35 = tpu.memref_squeeze %dma_wait3A_34 : memref<1x1x1x80x128xf32, #tpu.memory_space<hbm>> -> memref<80x128xf32, #tpu.memory_space<hbm>>
        tpu.wait_dma2 semaphore(%run_scoped3A : memref<!tpu.dma_semaphore, #tpu.memory_space<semaphore_mem>>) src(%arg9 : memref<80x128xf32, #tpu.memory_space<vmem>>) dst(%dma_wait3A_35 : memref<80x128xf32, #tpu.memory_space<hbm>>)
        tpu.yield
      }) : () -> ()
    }
    %scan3A_17 = arith.constant 8 : i32
    return
  }
}

module attributes {stable_mosaic.version = 14 : i64} {
  func.func @_norms_body(%arg0: i32, %arg1: memref<2x1000x128xf32, #tpu.memory_space<vmem>>, %arg2: memref<1000x128xf32, #tpu.memory_space<vmem>>, %arg3: memref<128x128xf32, #tpu.memory_space<vmem>>, %arg4: memref<1000x128xf32, #tpu.memory_space<vmem>>, %arg5: memref<1000x128xf32, #tpu.memory_space<vmem>>, %arg6: memref<1000x1xf32, #tpu.memory_space<vmem>>, %arg7: memref<1000x1xf32, #tpu.memory_space<vmem>>) attributes {dimension_semantics = [#tpu.dimension_semantics<arbitrary>], iteration_bounds = array<i64: 10>, scalar_prefetch = 0 : i64, scratch_operands = 0 : i64, tpu.core_type = #tpu.core_type<tc>, window_params = [{transform_indices = @transform_0, window_bounds = array<i64: 2, 1000, 128>}, {transform_indices = @transform_1, window_bounds = array<i64: 1000, 128>}, {pipeline_mode = #tpu.pipeline_mode<synchronous>, transform_indices = @transform_2, window_bounds = array<i64: 128, 128>}, {transform_indices = @transform_3, window_bounds = array<i64: 1000, 128>}, {transform_indices = @transform_4, window_bounds = array<i64: 1000, 128>}, {transform_indices = @transform_5, window_bounds = array<i64: 1000, 1>}, {transform_indices = @transform_6, window_bounds = array<i64: 1000, 1>}]} {
    %get3A = arith.constant 0 : index
    %get3A_0 = arith.constant 0 : index
    %get3A_1 = arith.constant 0 : index
    %get3A_2 = vector.load %arg1[%get3A, %get3A_0, %get3A_1] : memref<2x1000x128xf32, #tpu.memory_space<vmem>>, vector<1x1000x1xf32>
    %get3A_3 = vector.shape_cast %get3A_2 : vector<1x1000x1xf32> to vector<1000x1xf32>
    %get3A_4 = arith.constant 1 : index
    %get3A_5 = arith.constant 0 : index
    %get3A_6 = arith.constant 0 : index
    %get3A_7 = vector.load %arg1[%get3A_4, %get3A_5, %get3A_6] : memref<2x1000x128xf32, #tpu.memory_space<vmem>>, vector<1x1000x1xf32>
    %get3A_8 = vector.shape_cast %get3A_7 : vector<1x1000x1xf32> to vector<1000x1xf32>
    %add3A = arith.addf %get3A_3, %get3A_8 : vector<1000x1xf32>
    %get3A_9 = arith.constant 0 : index
    %get3A_10 = arith.constant 0 : index
    %get3A_11 = arith.constant 64 : index
    %get3A_12 = vector.load %arg1[%get3A_9, %get3A_10, %get3A_11] : memref<2x1000x128xf32, #tpu.memory_space<vmem>>, vector<1x1000x1xf32>
    %get3A_13 = vector.shape_cast %get3A_12 : vector<1x1000x1xf32> to vector<1000x1xf32>
    %get3A_14 = arith.constant 1 : index
    %get3A_15 = arith.constant 0 : index
    %get3A_16 = arith.constant 64 : index
    %get3A_17 = vector.load %arg1[%get3A_14, %get3A_15, %get3A_16] : memref<2x1000x128xf32, #tpu.memory_space<vmem>>, vector<1x1000x1xf32>
    %get3A_18 = vector.shape_cast %get3A_17 : vector<1x1000x1xf32> to vector<1000x1xf32>
    %add3A_19 = arith.addf %get3A_13, %get3A_18 : vector<1000x1xf32>
    %gt3A = arith.constant 0.000000e+00 : f32
    %gt3A_20 = vector.broadcast %gt3A : f32 to vector<1000x1xf32>
    %gt3A_21 = arith.cmpf ogt, %add3A, %gt3A_20 : vector<1000x1xf32>
    %rsqrt3A = math.rsqrt %add3A : vector<1000x1xf32>
    %jit3A = arith.constant 0.000000e+00 : f32
    %broadcast_in_dim3A = vector.broadcast %jit3A : f32 to vector<1000x1xf32>
    %select_n3A = arith.select %gt3A_21, %rsqrt3A, %broadcast_in_dim3A : vector<1000x1xi1>, vector<1000x1xf32>
    %gt3A_22 = arith.constant 0.000000e+00 : f32
    %gt3A_23 = vector.broadcast %gt3A_22 : f32 to vector<1000x1xf32>
    %gt3A_24 = arith.cmpf ogt, %add3A_19, %gt3A_23 : vector<1000x1xf32>
    %rsqrt3A_25 = math.rsqrt %add3A_19 : vector<1000x1xf32>
    %jit3A_26 = arith.constant 0.000000e+00 : f32
    %broadcast_in_dim3A_27 = vector.broadcast %jit3A_26 : f32 to vector<1000x1xf32>
    %select_n3A_28 = arith.select %gt3A_24, %rsqrt3A_25, %broadcast_in_dim3A_27 : vector<1000x1xi1>, vector<1000x1xf32>
    %get3A_29 = arith.constant 0 : index
    %get3A_30 = arith.constant 0 : index
    %get3A_31 = vector.load %arg2[%get3A_29, %get3A_30] : memref<1000x128xf32, #tpu.memory_space<vmem>>, vector<1000x128xf32>
    %mul3A = vector.broadcast %select_n3A : vector<1000x1xf32> to vector<1000x128xf32>
    %mul3A_32 = arith.mulf %get3A_31, %mul3A : vector<1000x128xf32>
    %swap3A = arith.constant 0 : index
    %swap3A_33 = arith.constant 0 : index
    %swap3A_34 = vector.load %arg4[%swap3A, %swap3A_33] : memref<1000x128xf32, #tpu.memory_space<vmem>>, vector<1000x128xf32>
    tpu.vector_store %arg4[%swap3A, %swap3A_33], %mul3A_32 {strides = array<i32>} : memref<1000x128xf32, #tpu.memory_space<vmem>>, vector<1000x128xf32>,
    %get3A_35 = arith.constant 0 : index
    %get3A_36 = arith.constant 0 : index
    %get3A_37 = vector.load %arg3[%get3A_35, %get3A_36] : memref<128x128xf32, #tpu.memory_space<vmem>>, vector<128x128xf32>
    %dot_general3A = arith.constant dense<0.000000e+00> : vector<1000x128xf32>
    %dot_general3A_38 = tpu.matmul %get3A_31, %get3A_37, %dot_general3A {dimension_numbers = #tpu.dot_dimension_numbers<[1], [1], [0], [0], [0, 0, 1, 0], [], []>, transpose_lhs_hint = false} : vector<1000x128xf32>, vector<128x128xf32>, vector<1000x128xf32> -> vector<1000x128xf32>
    %swap3A_39 = arith.constant 0 : index
    %swap3A_40 = arith.constant 0 : index
    %swap3A_41 = vector.load %arg5[%swap3A_39, %swap3A_40] : memref<1000x128xf32, #tpu.memory_space<vmem>>, vector<1000x128xf32>
    tpu.vector_store %arg5[%swap3A_39, %swap3A_40], %dot_general3A_38 {strides = array<i32>} : memref<1000x128xf32, #tpu.memory_space<vmem>>, vector<1000x128xf32>,
    %swap3A_42 = arith.constant 0 : index
    %swap3A_43 = arith.constant 0 : index
    %swap3A_44 = vector.load %arg6[%swap3A_42, %swap3A_43] : memref<1000x1xf32, #tpu.memory_space<vmem>>, vector<1000x1xf32>
    tpu.vector_store %arg6[%swap3A_42, %swap3A_43], %select_n3A_28 {strides = array<i32>} : memref<1000x1xf32, #tpu.memory_space<vmem>>, vector<1000x1xf32>,
    %swap3A_45 = arith.constant 0 : index
    %swap3A_46 = arith.constant 0 : index
    %swap3A_47 = vector.load %arg7[%swap3A_45, %swap3A_46] : memref<1000x1xf32, #tpu.memory_space<vmem>>, vector<1000x1xf32>
    tpu.vector_store %arg7[%swap3A_45, %swap3A_46], %select_n3A {strides = array<i32>} : memref<1000x1xf32, #tpu.memory_space<vmem>>, vector<1000x1xf32>,
    return
  }
  func.func @transform_0(%arg0: i32) -> (i32, i32, i32) {
    %c0_i32 = arith.constant 0 : i32
    %c0_i32_0 = arith.constant 0 : i32
    %c0_i32_1 = arith.constant 0 : i32
    return %c0_i32, %arg0, %c0_i32_0 : i32, i32, i32
  }
  func.func @transform_1(%arg0: i32) -> (i32, i32) {
    %c0_i32 = arith.constant 0 : i32
    %c0_i32_0 = arith.constant 0 : i32
    return %arg0, %c0_i32 : i32, i32
  }
  func.func @transform_2(%arg0: i32) -> (i32, i32) {
    %c0_i32 = arith.constant 0 : i32
    %c0_i32_0 = arith.constant 0 : i32
    %c0_i32_1 = arith.constant 0 : i32
    return %c0_i32, %c0_i32_0 : i32, i32
  }
  func.func @transform_3(%arg0: i32) -> (i32, i32) {
    %c0_i32 = arith.constant 0 : i32
    %c0_i32_0 = arith.constant 0 : i32
    return %arg0, %c0_i32 : i32, i32
  }
  func.func @transform_4(%arg0: i32) -> (i32, i32) {
    %c0_i32 = arith.constant 0 : i32
    %c0_i32_0 = arith.constant 0 : i32
    return %arg0, %c0_i32 : i32, i32
  }
  func.func @transform_5(%arg0: i32) -> (i32, i32) {
    %c0_i32 = arith.constant 0 : i32
    %c0_i32_0 = arith.constant 0 : i32
    return %arg0, %c0_i32 : i32, i32
  }
  func.func @transform_6(%arg0: i32) -> (i32, i32) {
    %c0_i32 = arith.constant 0 : i32
    %c0_i32_0 = arith.constant 0 : i32
    return %arg0, %c0_i32 : i32, i32
  }
}

module attributes {stable_mosaic.version = 14 : i64} {
  func.func @_layer_body(%arg0: i32, %arg1: memref<2x1000x128xf32, #tpu.memory_space<vmem>>, %arg2: memref<1000x1xf32, #tpu.memory_space<vmem>>, %arg3: memref<1000x1xf32, #tpu.memory_space<vmem>>, %arg4: memref<128x128xf32, #tpu.memory_space<vmem>>, %arg5: memref<1x128xf32, #tpu.memory_space<vmem>>, %arg6: memref<1000x128xf32, #tpu.memory_space<vmem>>) attributes {dimension_semantics = [#tpu.dimension_semantics<arbitrary>], iteration_bounds = array<i64: 10>, scalar_prefetch = 0 : i64, scratch_operands = 0 : i64, tpu.core_type = #tpu.core_type<tc>, window_params = [{transform_indices = @transform_0, window_bounds = array<i64: 2, 1000, 128>}, {transform_indices = @transform_1, window_bounds = array<i64: 1000, 1>}, {transform_indices = @transform_2, window_bounds = array<i64: 1000, 1>}, {pipeline_mode = #tpu.pipeline_mode<synchronous>, transform_indices = @transform_3, window_bounds = array<i64: 128, 128>}, {pipeline_mode = #tpu.pipeline_mode<synchronous>, transform_indices = @transform_4, window_bounds = array<i64: 1, 128>}, {transform_indices = @transform_5, window_bounds = array<i64: 1000, 128>}]} {
    %get3A = arith.constant 0 : index
    %get3A_0 = arith.constant 0 : index
    %get3A_1 = arith.constant 0 : index
    %get3A_2 = vector.load %arg1[%get3A, %get3A_0, %get3A_1] : memref<2x1000x128xf32, #tpu.memory_space<vmem>>, vector<1x1000x128xf32>
    %get3A_3 = vector.shape_cast %get3A_2 : vector<1x1000x128xf32> to vector<1000x128xf32>
    %get3A_4 = arith.constant 1 : index
    %get3A_5 = arith.constant 0 : index
    %get3A_6 = arith.constant 0 : index
    %get3A_7 = vector.load %arg1[%get3A_4, %get3A_5, %get3A_6] : memref<2x1000x128xf32, #tpu.memory_space<vmem>>, vector<1x1000x128xf32>
    %get3A_8 = vector.shape_cast %get3A_7 : vector<1x1000x128xf32> to vector<1000x128xf32>
    %add3A = arith.addf %get3A_3, %get3A_8 : vector<1000x128xf32>
    %get3A_9 = arith.constant 0 : index
    %get3A_10 = arith.constant 0 : index
    %get3A_11 = vector.load %arg2[%get3A_9, %get3A_10] : memref<1000x1xf32, #tpu.memory_space<vmem>>, vector<1000x1xf32>
    %mul3A = vector.broadcast %get3A_11 : vector<1000x1xf32> to vector<1000x128xf32>
    %mul3A_12 = arith.mulf %add3A, %mul3A : vector<1000x128xf32>
    %get3A_13 = arith.constant 0 : index
    %get3A_14 = arith.constant 0 : index
    %get3A_15 = vector.load %arg4[%get3A_13, %get3A_14] : memref<128x128xf32, #tpu.memory_space<vmem>>, vector<128x128xf32>
    %dot_general3A = arith.constant dense<0.000000e+00> : vector<1000x128xf32>
    %dot_general3A_16 = tpu.matmul %mul3A_12, %get3A_15, %dot_general3A {dimension_numbers = #tpu.dot_dimension_numbers<[1], [0], [0], [1], [0, 0, 1, 1], [], []>, transpose_lhs_hint = false} : vector<1000x128xf32>, vector<128x128xf32>, vector<1000x128xf32> -> vector<1000x128xf32>
    %get3A_17 = arith.constant 0 : index
    %get3A_18 = arith.constant 0 : index
    %get3A_19 = vector.load %arg5[%get3A_17, %get3A_18] : memref<1x128xf32, #tpu.memory_space<vmem>>, vector<1x128xf32>
    %add3A_20 = vector.broadcast %get3A_19 : vector<1x128xf32> to vector<1000x128xf32>
    %add3A_21 = arith.addf %dot_general3A_16, %add3A_20 : vector<1000x128xf32>
    %max3A = arith.constant 0.000000e+00 : f32
    %max3A_22 = vector.broadcast %max3A : f32 to vector<1000x128xf32>
    %max3A_23 = arith.maximumf %add3A_21, %max3A_22 : vector<1000x128xf32>
    %get3A_24 = arith.constant 0 : index
    %get3A_25 = arith.constant 0 : index
    %get3A_26 = vector.load %arg3[%get3A_24, %get3A_25] : memref<1000x1xf32, #tpu.memory_space<vmem>>, vector<1000x1xf32>
    %mul3A_27 = vector.broadcast %get3A_26 : vector<1000x1xf32> to vector<1000x128xf32>
    %mul3A_28 = arith.mulf %max3A_23, %mul3A_27 : vector<1000x128xf32>
    %swap3A = arith.constant 0 : index
    %swap3A_29 = arith.constant 0 : index
    %swap3A_30 = vector.load %arg6[%swap3A, %swap3A_29] : memref<1000x128xf32, #tpu.memory_space<vmem>>, vector<1000x128xf32>
    tpu.vector_store %arg6[%swap3A, %swap3A_29], %mul3A_28 {strides = array<i32>} : memref<1000x128xf32, #tpu.memory_space<vmem>>, vector<1000x128xf32>,
    return
  }
  func.func @transform_0(%arg0: i32) -> (i32, i32, i32) {
    %c0_i32 = arith.constant 0 : i32
    %c0_i32_0 = arith.constant 0 : i32
    %c0_i32_1 = arith.constant 0 : i32
    return %c0_i32, %arg0, %c0_i32_0 : i32, i32, i32
  }
  func.func @transform_1(%arg0: i32) -> (i32, i32) {
    %c0_i32 = arith.constant 0 : i32
    %c0_i32_0 = arith.constant 0 : i32
    return %arg0, %c0_i32 : i32, i32
  }
  func.func @transform_2(%arg0: i32) -> (i32, i32) {
    %c0_i32 = arith.constant 0 : i32
    %c0_i32_0 = arith.constant 0 : i32
    return %arg0, %c0_i32 : i32, i32
  }
  func.func @transform_3(%arg0: i32) -> (i32, i32) {
    %c0_i32 = arith.constant 0 : i32
    %c0_i32_0 = arith.constant 0 : i32
    %c0_i32_1 = arith.constant 0 : i32
    return %c0_i32, %c0_i32_0 : i32, i32
  }
  func.func @transform_4(%arg0: i32) -> (i32, i32) {
    %c0_i32 = arith.constant 0 : i32
    %c0_i32_0 = arith.constant 0 : i32
    %c0_i32_1 = arith.constant 0 : i32
    return %c0_i32, %c0_i32_0 : i32, i32
  }
  func.func @transform_5(%arg0: i32) -> (i32, i32) {
    %c0_i32 = arith.constant 0 : i32
    %c0_i32_0 = arith.constant 0 : i32
    return %arg0, %c0_i32 : i32, i32
  }
}

module attributes {stable_mosaic.version = 14 : i64} {
  func.func @_final_body(%arg0: i32, %arg1: memref<2x1000x128xf32, #tpu.memory_space<vmem>>, %arg2: memref<1000x1xf32, #tpu.memory_space<vmem>>, %arg3: memref<128x128xf32, #tpu.memory_space<vmem>>, %arg4: memref<1x128xf32, #tpu.memory_space<vmem>>, %arg5: memref<1000x128xf32, #tpu.memory_space<vmem>>, %arg6: memref<1x128xf32, #tpu.memory_space<vmem>>, %arg7: memref<1x128xf32, #tpu.memory_space<vmem>>, %arg8: memref<1000x128xf32, #tpu.memory_space<vmem>>, %arg9: memref<1000x128xf32, #tpu.memory_space<vmem>>) attributes {dimension_semantics = [#tpu.dimension_semantics<arbitrary>], iteration_bounds = array<i64: 10>, scalar_prefetch = 0 : i64, scratch_operands = 0 : i64, tpu.core_type = #tpu.core_type<tc>, window_params = [{transform_indices = @transform_0, window_bounds = array<i64: 2, 1000, 128>}, {transform_indices = @transform_1, window_bounds = array<i64: 1000, 1>}, {pipeline_mode = #tpu.pipeline_mode<synchronous>, transform_indices = @transform_2, window_bounds = array<i64: 128, 128>}, {pipeline_mode = #tpu.pipeline_mode<synchronous>, transform_indices = @transform_3, window_bounds = array<i64: 1, 128>}, {transform_indices = @transform_4, window_bounds = array<i64: 1000, 128>}, {pipeline_mode = #tpu.pipeline_mode<synchronous>, transform_indices = @transform_5, window_bounds = array<i64: 1, 128>}, {pipeline_mode = #tpu.pipeline_mode<synchronous>, transform_indices = @transform_6, window_bounds = array<i64: 1, 128>}, {transform_indices = @transform_7, window_bounds = array<i64: 1000, 128>}, {transform_indices = @transform_8, window_bounds = array<i64: 1000, 128>}]} {
    %get3A = arith.constant 0 : index
    %get3A_0 = arith.constant 0 : index
    %get3A_1 = arith.constant 0 : index
    %get3A_2 = vector.load %arg1[%get3A, %get3A_0, %get3A_1] : memref<2x1000x128xf32, #tpu.memory_space<vmem>>, vector<1x1000x128xf32>
    %get3A_3 = vector.shape_cast %get3A_2 : vector<1x1000x128xf32> to vector<1000x128xf32>
    %get3A_4 = arith.constant 1 : index
    %get3A_5 = arith.constant 0 : index
    %get3A_6 = arith.constant 0 : index
    %get3A_7 = vector.load %arg1[%get3A_4, %get3A_5, %get3A_6] : memref<2x1000x128xf32, #tpu.memory_space<vmem>>, vector<1x1000x128xf32>
    %get3A_8 = vector.shape_cast %get3A_7 : vector<1x1000x128xf32> to vector<1000x128xf32>
    %add3A = arith.addf %get3A_3, %get3A_8 : vector<1000x128xf32>
    %get3A_9 = arith.constant 0 : index
    %get3A_10 = arith.constant 0 : index
    %get3A_11 = vector.load %arg2[%get3A_9, %get3A_10] : memref<1000x1xf32, #tpu.memory_space<vmem>>, vector<1000x1xf32>
    %mul3A = vector.broadcast %get3A_11 : vector<1000x1xf32> to vector<1000x128xf32>
    %mul3A_12 = arith.mulf %add3A, %mul3A : vector<1000x128xf32>
    %get3A_13 = arith.constant 0 : index
    %get3A_14 = arith.constant 0 : index
    %get3A_15 = vector.load %arg3[%get3A_13, %get3A_14] : memref<128x128xf32, #tpu.memory_space<vmem>>, vector<128x128xf32>
    %dot_general3A = arith.constant dense<0.000000e+00> : vector<1000x128xf32>
    %dot_general3A_16 = tpu.matmul %mul3A_12, %get3A_15, %dot_general3A {dimension_numbers = #tpu.dot_dimension_numbers<[1], [0], [0], [1], [0, 0, 1, 1], [], []>, transpose_lhs_hint = false} : vector<1000x128xf32>, vector<128x128xf32>, vector<1000x128xf32> -> vector<1000x128xf32>
    %get3A_17 = arith.constant 0 : index
    %get3A_18 = arith.constant 0 : index
    %get3A_19 = vector.load %arg4[%get3A_17, %get3A_18] : memref<1x128xf32, #tpu.memory_space<vmem>>, vector<1x128xf32>
    %add3A_20 = vector.broadcast %get3A_19 : vector<1x128xf32> to vector<1000x128xf32>
    %add3A_21 = arith.addf %dot_general3A_16, %add3A_20 : vector<1000x128xf32>
    %max3A = arith.constant 0.000000e+00 : f32
    %max3A_22 = vector.broadcast %max3A : f32 to vector<1000x128xf32>
    %max3A_23 = arith.maximumf %add3A_21, %max3A_22 : vector<1000x128xf32>
    %swap3A = arith.constant 0 : index
    %swap3A_24 = arith.constant 0 : index
    %swap3A_25 = vector.load %arg8[%swap3A, %swap3A_24] : memref<1000x128xf32, #tpu.memory_space<vmem>>, vector<1000x128xf32>
    tpu.vector_store %arg8[%swap3A, %swap3A_24], %max3A_23 {strides = array<i32>} : memref<1000x128xf32, #tpu.memory_space<vmem>>, vector<1000x128xf32>,
    %get3A_26 = arith.constant 0 : index
    %get3A_27 = arith.constant 0 : index
    %get3A_28 = vector.load %arg5[%get3A_26, %get3A_27] : memref<1000x128xf32, #tpu.memory_space<vmem>>, vector<1000x128xf32>
    %add3A_29 = arith.addf %max3A_23, %get3A_28 : vector<1000x128xf32>
    %reduce_sum3A = arith.constant dense<0.000000e+00> : vector<1000xf32>
    %reduce_sum3A_30 = vector.multi_reduction <add>, %add3A_29, %reduce_sum3A [1] : vector<1000x128xf32> to vector<1000xf32>
    %broadcast_in_dim3A = vector.shape_cast %reduce_sum3A_30 : vector<1000xf32> to vector<1000x1xf32>
    %div3A = arith.constant 1.280000e+02 : f32
    %div3A_31 = vector.broadcast %div3A : f32 to vector<1000x1xf32>
    %div3A_32 = arith.divf %broadcast_in_dim3A, %div3A_31 : vector<1000x1xf32>
    %sub3A = vector.broadcast %div3A_32 : vector<1000x1xf32> to vector<1000x128xf32>
    %sub3A_33 = arith.subf %add3A_29, %sub3A : vector<1000x128xf32>
    %integer_pow3A = arith.mulf %sub3A_33, %sub3A_33 : vector<1000x128xf32>
    %reduce_sum3A_34 = arith.constant dense<0.000000e+00> : vector<1000xf32>
    %reduce_sum3A_35 = vector.multi_reduction <add>, %integer_pow3A, %reduce_sum3A_34 [1] : vector<1000x128xf32> to vector<1000xf32>
    %broadcast_in_dim3A_36 = vector.shape_cast %reduce_sum3A_35 : vector<1000xf32> to vector<1000x1xf32>
    %div3A_37 = arith.constant 1.280000e+02 : f32
    %div3A_38 = vector.broadcast %div3A_37 : f32 to vector<1000x1xf32>
    %div3A_39 = arith.divf %broadcast_in_dim3A_36, %div3A_38 : vector<1000x1xf32>
    %sub3A_40 = vector.broadcast %div3A_32 : vector<1000x1xf32> to vector<1000x128xf32>
    %sub3A_41 = arith.subf %add3A_29, %sub3A_40 : vector<1000x128xf32>
    %add3A_42 = arith.constant 9.99999974E-6 : f32
    %add3A_43 = vector.broadcast %add3A_42 : f32 to vector<1000x1xf32>
    %add3A_44 = arith.addf %div3A_39, %add3A_43 : vector<1000x1xf32>
    %sqrt3A = math.sqrt %add3A_44 : vector<1000x1xf32>
    %div3A_45 = vector.broadcast %sqrt3A : vector<1000x1xf32> to vector<1000x128xf32>
    %div3A_46 = arith.divf %sub3A_41, %div3A_45 : vector<1000x128xf32>
    %get3A_47 = arith.constant 0 : index
    %get3A_48 = arith.constant 0 : index
    %get3A_49 = vector.load %arg6[%get3A_47, %get3A_48] : memref<1x128xf32, #tpu.memory_space<vmem>>, vector<1x128xf32>
    %mul3A_50 = vector.broadcast %get3A_49 : vector<1x128xf32> to vector<1000x128xf32>
    %mul3A_51 = arith.mulf %div3A_46, %mul3A_50 : vector<1000x128xf32>
    %get3A_52 = arith.constant 0 : index
    %get3A_53 = arith.constant 0 : index
    %get3A_54 = vector.load %arg7[%get3A_52, %get3A_53] : memref<1x128xf32, #tpu.memory_space<vmem>>, vector<1x128xf32>
    %add3A_55 = vector.broadcast %get3A_54 : vector<1x128xf32> to vector<1000x128xf32>
    %add3A_56 = arith.addf %mul3A_51, %add3A_55 : vector<1000x128xf32>
    %swap3A_57 = arith.constant 0 : index
    %swap3A_58 = arith.constant 0 : index
    %swap3A_59 = vector.load %arg9[%swap3A_57, %swap3A_58] : memref<1000x128xf32, #tpu.memory_space<vmem>>, vector<1000x128xf32>
    tpu.vector_store %arg9[%swap3A_57, %swap3A_58], %add3A_56 {strides = array<i32>} : memref<1000x128xf32, #tpu.memory_space<vmem>>, vector<1000x128xf32>,
    return
  }
  func.func @transform_0(%arg0: i32) -> (i32, i32, i32) {
    %c0_i32 = arith.constant 0 : i32
    %c0_i32_0 = arith.constant 0 : i32
    %c0_i32_1 = arith.constant 0 : i32
    return %c0_i32, %arg0, %c0_i32_0 : i32, i32, i32
  }
  func.func @transform_1(%arg0: i32) -> (i32, i32) {
    %c0_i32 = arith.constant 0 : i32
    %c0_i32_0 = arith.constant 0 : i32
    return %arg0, %c0_i32 : i32, i32
  }
  func.func @transform_2(%arg0: i32) -> (i32, i32) {
    %c0_i32 = arith.constant 0 : i32
    %c0_i32_0 = arith.constant 0 : i32
    %c0_i32_1 = arith.constant 0 : i32
    return %c0_i32, %c0_i32_0 : i32, i32
  }
  func.func @transform_3(%arg0: i32) -> (i32, i32) {
    %c0_i32 = arith.constant 0 : i32
    %c0_i32_0 = arith.constant 0 : i32
    %c0_i32_1 = arith.constant 0 : i32
    return %c0_i32, %c0_i32_0 : i32, i32
  }
  func.func @transform_4(%arg0: i32) -> (i32, i32) {
    %c0_i32 = arith.constant 0 : i32
    %c0_i32_0 = arith.constant 0 : i32
    return %arg0, %c0_i32 : i32, i32
  }
  func.func @transform_5(%arg0: i32) -> (i32, i32) {
    %c0_i32 = arith.constant 0 : i32
    %c0_i32_0 = arith.constant 0 : i32
    %c0_i32_1 = arith.constant 0 : i32
    return %c0_i32, %c0_i32_0 : i32, i32
  }
  func.func @transform_6(%arg0: i32) -> (i32, i32) {
    %c0_i32 = arith.constant 0 : i32
    %c0_i32_0 = arith.constant 0 : i32
    %c0_i32_1 = arith.constant 0 : i32
    return %c0_i32, %c0_i32_0 : i32, i32
  }
  func.func @transform_7(%arg0: i32) -> (i32, i32) {
    %c0_i32 = arith.constant 0 : i32
    %c0_i32_0 = arith.constant 0 : i32
    return %arg0, %c0_i32 : i32, i32
  }
  func.func @transform_8(%arg0: i32) -> (i32, i32) {
    %c0_i32 = arith.constant 0 : i32
    %c0_i32_0 = arith.constant 0 : i32
    return %arg0, %c0_i32 : i32, i32
  }
}

module attributes {stable_mosaic.version = 14 : i64} {
  func.func @_adj_body(%arg0: i32, %arg1: memref<400x128xf32, #tpu.memory_space<vmem>>, %arg2: memref<10000x128xf32, #tpu.memory_space<vmem>>, %arg3: memref<400x10000xf32, #tpu.memory_space<vmem>>) attributes {dimension_semantics = [#tpu.dimension_semantics<arbitrary>], iteration_bounds = array<i64: 25>, scalar_prefetch = 0 : i64, scratch_operands = 0 : i64, tpu.core_type = #tpu.core_type<tc>, window_params = [{transform_indices = @transform_0, window_bounds = array<i64: 400, 128>}, {pipeline_mode = #tpu.pipeline_mode<synchronous>, transform_indices = @transform_1, window_bounds = array<i64: 10000, 128>}, {transform_indices = @transform_2, window_bounds = array<i64: 400, 10000>}]} {
    %get3A = arith.constant 0 : index
    %get3A_0 = arith.constant 0 : index
    %get3A_1 = vector.load %arg1[%get3A, %get3A_0] : memref<400x128xf32, #tpu.memory_space<vmem>>, vector<400x128xf32>
    %get3A_2 = arith.constant 0 : index
    %get3A_3 = arith.constant 0 : index
    %get3A_4 = vector.load %arg2[%get3A_2, %get3A_3] : memref<10000x128xf32, #tpu.memory_space<vmem>>, vector<10000x128xf32>
    %dot_general3A = arith.constant dense<0.000000e+00> : vector<400x10000xf32>
    %dot_general3A_5 = tpu.matmul %get3A_1, %get3A_4, %dot_general3A {dimension_numbers = #tpu.dot_dimension_numbers<[1], [1], [0], [0], [0, 0, 1, 0], [], []>, transpose_lhs_hint = false} : vector<400x128xf32>, vector<10000x128xf32>, vector<400x10000xf32> -> vector<400x10000xf32>
    %logistic3A = arith.negf %dot_general3A_5 : vector<400x10000xf32>
    %logistic3A_6 = math.exp %logistic3A : vector<400x10000xf32>
    %logistic3A_7 = arith.constant 1.000000e+00 : f32
    %logistic3A_8 = vector.broadcast %logistic3A_7 : f32 to vector<400x10000xf32>
    %logistic3A_9 = arith.addf %logistic3A_8, %logistic3A_6 : vector<400x10000xf32>
    %logistic3A_10 = arith.divf %logistic3A_8, %logistic3A_9 : vector<400x10000xf32>
    %swap3A = arith.constant 0 : index
    %swap3A_11 = arith.constant 0 : index
    %swap3A_12 = vector.load %arg3[%swap3A, %swap3A_11] : memref<400x10000xf32, #tpu.memory_space<vmem>>, vector<400x10000xf32>
    tpu.vector_store %arg3[%swap3A, %swap3A_11], %logistic3A_10 {strides = array<i32>} : memref<400x10000xf32, #tpu.memory_space<vmem>>, vector<400x10000xf32>,
    return
  }
  func.func @transform_0(%arg0: i32) -> (i32, i32) {
    %c0_i32 = arith.constant 0 : i32
    %c0_i32_0 = arith.constant 0 : i32
    return %arg0, %c0_i32 : i32, i32
  }
  func.func @transform_1(%arg0: i32) -> (i32, i32) {
    %c0_i32 = arith.constant 0 : i32
    %c0_i32_0 = arith.constant 0 : i32
    %c0_i32_1 = arith.constant 0 : i32
    return %c0_i32, %c0_i32_0 : i32, i32
  }
  func.func @transform_2(%arg0: i32) -> (i32, i32) {
    %c0_i32 = arith.constant 0 : i32
    %c0_i32_0 = arith.constant 0 : i32
    return %arg0, %c0_i32 : i32, i32
  }
}

</mosaic_0001>

<sc_bundles>
// kernel: kernel.12.cloned.1.call-start
scs
__scs_entry_jumppad:
0x0: {  	(pc) =	sbr.rel $0x88, $3  }
0x1: {  	(tag) =	ssettag $0x0;
	lr =	simm.s32 $0x1  }
0x2: {  	[smem:$0x3F98] =	sst lr;
	_ =	strace $0xD0000000  }
0x3: {  	_ = 	snop  }
0x4: {  	_ = 	snop  }
0x5: {  	_ = 	snop  }
0x6: {  	_ = 	snop  }
0x7: {  	_ = 	snop  }
__scs_overlays_trampoline_lowered:
0x8: {  	[smem:$0x3FA7] =	sst s0  }
0x9: {  	[smem:$0x3FA8] =	sst s1  }
0xa: {  	[smem:$0x3FA9] =	sst s2  }
0xb: {  	[smem:$0x3FAA] =	sst s3  }
0xc: {  	[smem:$0x3FAB] =	sst s4  }
0xd: {  	[smem:$0x3FAC] =	sst s5  }
0xe: {  	[smem:$0x3FAD] =	sst s6  }
0xf: {  	[smem:$0x3FAE] =	sst s7  }
0x10: {  	[smem:$0x3FAF] =	sst s8  }
0x11: {  	[smem:$0x3FB0] =	sst s9;
	s0 =	simm.s32 @!p0 $0x0  }
0x12: {  	s1 =	sld [smem:$0x3F96];
	s0 =	simm.s32 @p0 $0x1  }
0x13: {  	[smem:$0x3FB1] =	sst s0;
	s0 =	simm.s32 @!p1 $0x0  }
0x14: {  	s2 =	sld [smem:$0x3F95];
	s0 =	simm.s32 @p1 $0x1  }
0x15: {  	[smem:$0x3FB2] =	sst s0;
	s0 =	simm.s32 @!p2 $0x0  }
0x16: {  	s3 =	sld [smem:$0x3FDB];
	s0 =	simm.s32 @p2 $0x1  }
0x17: {  	s4 =	simm.s32 $0x1BF5;
	[smem:$0x3FB4] =	sst s0  }
0x18: {  	s0 =	sld [smem:$0x3F97];
	_ =	swait.ge [sflag:s4], $0x0  }
0x19: {  	s7 =	sld [smem:$0x3F98]  }
0x1a: {  	s8 =	sadd.s32 $0xFFFFE003, lr  }
0x1b: {  	s9 =	sadd.s32 $0xFFFFFEF7, lr;
	s5 =	simm.s32 $0xFFFFFFFF;
	p2 =	slt.u32 s8, $0xFFFFF086  }
0x1c: {  	p1 =	slt.u32 s9, $0xF7A;
	s5 =	simm.s32 @!p2 $0x0  }
0x1d: {  	s5 =	simm.s32 @p1 $0x1;
	p0 =	seq.s32 s7, s2  }
0x1e: {  	s7 =	smul.u32 @!p0 $0xF7A, s2;
	p2 =	seq.s32 @!p0 s5, $0x0  }
0x1f: {  	s9 =	smul.u32 $0xF7A, s1;
	s8 =	simm.s32 @!p0 $0x1BF5;
	p2 =	por !p2, p0  }
0x20: {  	[sflag:s8] =	ssyncset.s32 @!p0 $0xFFFFF086;
	s6 =	sadd.s32 @!p0 s3, s7;
	s7 =	simm.s32 @!p0 $0x108  }
0x21: {  	s3 =	sadd.s32 s3, s9;
	s6 =	sadd.s32 @!p0 $0x88, s6;
	s7 =	simm.s32 @p2 $0x1082  }
0x22: {  	[simem:s7], [sflag:s8] =	dma.local @!p0 [hbm:s6], $0xF7A  }
0x23: {  	s9 =	sor.u32 $0xD0000000, s2;
	s6 =	simm.s32 $0x108;
	_ =	swait.ge @!p0 [sflag:s8], $0x0  }
0x24: {  	s3 =	sadd.s32 $0x88, s3;
	s6 =	simm.s32 @!p1 $0x1082;
	[sflag:s4] =	ssyncset.s32 $0xFFFFF086  }
0x25: {  	[simem:s6], [sflag:s4] =	dma.local [hbm:s3], $0xF7A  }
0x26: {  	[smem:$0x3F98] =	sst s1;
	(tag) =	ssettag s2;
	_ =	strace s9  }
0x27: {  	s1 =	sld [smem:$0x3FA8]  }
0x28: {  	s2 =	sld [smem:$0x3FA9]  }
0x29: {  	s4 =	sld [smem:$0x3FAB]  }
0x2a: {  	p0 =	seq.s32 s5, $0x0;
	s5 =	sld [smem:$0x3FAC]  }
0x2b: {  	s6 =	sld [smem:$0x3FAD]  }
0x2c: {  	s7 =	sld [smem:$0x3FAE]  }
0x2d: {  	s3 =	simm.s32 $0x108;
	s8 =	sld [smem:$0x3FAF]  }
0x2e: {  	s3 =	simm.s32 @!p0 $0x1082;
	s9 =	sld [smem:$0x3FB0]  }
0x2f: {  	lr =	sadd.s32 s0, s3;
	s0 =	sld [smem:$0x3FA7]  }
0x30: {  	s3 =	sld [smem:$0x3FAA]  }
0x31: {  	[smem:$0x3FB3] =	sst s10  }
0x32: {  	s10 =	sld [smem:$0x3FB1];
	_ =	sdelay $0x3  }
0x33: {  	p0 =	seq.s32 s10, $0x1;
	s10 =	sld [smem:$0x3FB3];
	_ =	sdelay $0x3  }
0x34: {  	[smem:$0x3FB3] =	sst s10  }
0x35: {  	s10 =	sld [smem:$0x3FB2];
	_ =	sdelay $0x3  }
0x36: {  	p1 =	seq.s32 s10, $0x1;
	s10 =	sld [smem:$0x3FB3];
	_ =	sdelay $0x3  }
0x37: {  	[smem:$0x3FB3] =	sst s10  }
0x38: {  	s10 =	sld [smem:$0x3FB4]  }
0x39: {  	_ = 	snop;
	(pc) =	sbr.ind lr, $3  }
0x3a: {  	_ = 	snop  }
0x3b: {  	_ = 	snop  }
0x3c: {  	p2 =	seq.s32 s10, $0x1;
	s10 =	sld [smem:$0x3FB3]  }
0x3d: {  	_ =	shalt  }
0x3e: {  	_ =	shalt  }
0x3f: {  	_ =	shalt  }
0x40: {  	_ =	shalt  }
0x41: {  	_ =	shalt  }
0x42: {  	_ =	shalt  }
0x43: {  	_ =	shalt  }
0x44: {  	_ =	shalt  }
0x45: {  	_ =	shalt  }
0x46: {  	_ =	shalt  }
0x47: {  	_ =	shalt  }
0x48: {  	_ =	shalt  }
0x49: {  	_ =	shalt  }
0x4a: {  	_ =	shalt  }
0x4b: {  	_ =	shalt  }
0x4c: {  	_ =	shalt  }
0x4d: {  	_ =	shalt  }
0x4e: {  	_ =	shalt  }
0x4f: {  	_ =	shalt  }
0x50: {  	_ =	shalt  }
0x51: {  	_ =	shalt  }
0x52: {  	_ =	shalt  }
0x53: {  	_ =	shalt  }
0x54: {  	_ =	shalt  }
0x55: {  	_ =	shalt  }
0x56: {  	_ =	shalt  }
0x57: {  	_ =	shalt  }
0x58: {  	_ =	shalt  }
0x59: {  	_ =	shalt  }
0x5a: {  	_ =	shalt  }
0x5b: {  	_ =	shalt  }
0x5c: {  	_ =	shalt  }
0x5d: {  	_ =	shalt  }
0x5e: {  	_ =	shalt  }
0x5f: {  	_ =	shalt  }
0x60: {  	_ =	shalt  }
0x61: {  	_ =	shalt  }
0x62: {  	_ =	shalt  }
0x63: {  	_ =	shalt  }
0x64: {  	_ =	shalt  }
0x65: {  	_ =	shalt  }
0x66: {  	_ =	shalt  }
0x67: {  	_ =	shalt  }
0x68: {  	_ =	shalt  }
0x69: {  	_ =	shalt  }
0x6a: {  	_ =	shalt  }
0x6b: {  	_ =	shalt  }
0x6c: {  	_ =	shalt  }
0x6d: {  	_ =	shalt  }
0x6e: {  	_ =	shalt  }
0x6f: {  	_ =	shalt  }
0x70: {  	_ =	shalt  }
0x71: {  	_ =	shalt  }
0x72: {  	_ =	shalt  }
0x73: {  	_ =	shalt  }
0x74: {  	_ =	shalt  }
0x75: {  	_ =	shalt  }
0x76: {  	_ =	shalt  }
0x77: {  	_ =	shalt  }
0x78: {  	_ =	shalt  }
0x79: {  	_ =	shalt  }
0x7a: {  	_ =	shalt  }
0x7b: {  	_ =	shalt  }
0x7c: {  	_ =	shalt  }
0x7d: {  	_ =	shalt  }
0x7e: {  	_ =	shalt  }
0x7f: {  	_ =	shalt  }
0x80: {  	_ =	shalt  }
0x81: {  	_ =	shalt  }
0x82: {  	_ =	shalt  }
0x83: {  	_ =	shalt  }
0x84: {  	_ =	shalt  }
0x85: {  	_ =	shalt  }
0x86: {  	_ =	shalt  }
0x87: {  	_ =	shalt  }
.Lfunc_end0:
.L_simem_size_0:
called_computation.1_lowered:
.L_overlay_start_0:
0x88: {  	s2 =	sld [smem:$0x3FD9]  }
0x89: {  	s3 =	sld [smem:$0x3FFE];
	_ =	sdelay $0x1  }
0x8a: {  	s1 =	srdreg.scid  }
0x8b: {  	s0 =	sand.u32 $0x1, s1  }
0x8c: {  	s14 =	sshll.u32 s0, $0xA;
	s2 =	sadd.s32 s3, s2  }
0x8d: {  	s2 =	sadd.s32 s2, s14  }
0x8e: {  	[smem:$0x3FBF] =	sst s2  }
0x8f: {  	_ = 	snop  }
0x90: {  	s2 =	sld [smem:$0x3FD0];
	_ =	sdelay $0x2  }
0x91: {  	s15 =	simm.s32 $0xA;
	s4 =	simm.s32 $0x10  }
0x92: {  	[smem:s4], [sflag:s15] =	dma.local [hbm:s2], $0x1  }
0x93: {  	_ =	swait.eq [sflag:s15], $0x1  }
0x94: {  	[sflag:s15] =	ssyncset.done $0x0  }
0x95: {  	s16 =	sld [smem:$0x10];
	[sflag:s15] =	ssyncadd.s32 $0xFFFFFFFF  }
0x96: {  	s17 =	sld [smem:$0x11];
	(tm) =	ssettm $0x1  }
0x97: {  	s18 =	sld [smem:$0x3FFB];
	_ =	sdelay $0x3  }
0x98: {  	_ =	strace s18  }
0x99: {  	s4 =	sld [smem:$0x3FFC];
	_ =	sdelay $0x3  }
0x9a: {  	_ =	strace s4  }
0x9b: {  	s4 =	sld [smem:$0x3FFD];
	_ =	sdelay $0x3  }
0x9c: {  	_ =	strace s4  }
0x9d: {  	_ =	strace $0x8FFFFFFF  }
0x9e: {  	s19 =	sld [smem:$0x3FDB];
	_ =	sdelay $0x1  }
0x9f: {  	s5 =	simm.s32 $_scs_section_size  }
0xa0: {  	s6 =	simm.s32 $_size__tile_overlayer_lowered;
	s7 =	simm.s32 $_tile_overlayer_lowered  }
0xa1: {  	s22 =	simm.s32 $0x1BFF;
	s21 =	sshll.u32 s7, $0x1;
	s4 =	sadd.s32 s5, s19  }
0xa2: {  	s8 =	simm.s32 $0x0;
	s20 =	sshll.u32 s6, $0x1;
	s6 =	sadd.s32 s21, s4  }
0xa3: {  	[timem:s8], [sflag:s22] =	dma.local [hbm:s6], s20  }
0xa4: {  	_ =	swait.ge [sflag:s22], s20  }
0xa5: {  	s5 =	ssub.s32 $0x0, s20;
	[sflag:s22] =	ssyncset.done $0x0  }
0xa6: {  	[sflag:s22] =	ssyncadd.s32 s5;
	_ =	sdelay $0x1  }
0xa7: {  	s23 =	simm.s32 $0x1B8B  }
0xa8: {  	_ =	swait.ge [sflag:s23], $0x1  }
0xa9: {  	[sflag:s23] =	ssyncset.done $0x0  }
0xaa: {  	s25 =	simm.s32 $0x1B8E;
	s24 =	sld [smem:$0x3FFE];
	[sflag:s23] =	ssyncadd.s32 $0xFFFFFFFF  }
0xab: {  	s26 =	simm.s32 $execute0_lowered;
	[smem:$0x3FD2] =	sst s25  }
0xac: {  	s6 =	sshll.u32 s26, $0x1;
	_ =	strace $0x80000049;
	[dreg:$0x1] =	wrdreg $0xFFFFFFFF  }
0xad: {  	s28 =	simm.s32 $_size_execute0_lowered;
	s4 =	sadd.s32 s4, s6;
	[dreg:$0x0] =	wrdreg $0x0  }
0xae: {  	s6 =	sshll.u32 s28, $0x1;
	[dreg:$0x2] =	wrdreg s4  }
0xaf: {  	[dreg:$0x3] =	wrdreg s6  }
0xb0: {  	[dreg:$0x4] =	wrdreg $0xC0  }
0xb1: {  	_ =	task [dreg:s8], $0x5FFFF  }
0xb2: {  	[dreg:$0x1] =	wrdreg $0xFFFFFFFF  }
0xb3: {  	[dreg:$0x0] =	wrdreg $0x60  }
0xb4: {  	[dreg:$0x2] =	wrdreg s17  }
0xb5: {  	[dreg:$0x3] =	wrdreg s24  }
0xb6: {  	[dreg:$0x4] =	wrdreg s16  }
0xb7: {  	[dreg:$0x5] =	wrdreg $0xA8000  }
0xb8: {  	[dreg:$0x6] =	wrdreg $0x9  }
0xb9: {  	_ =	task.clear_ibuf [dreg:s8], $0x7FFFF;
	_ =	strace $0x90000049  }
0xba: {  	s29 =	simm.s32 $0x9;
	_ =	strace $0x8000004B  }
0xbb: {  	_ =	swait.ge [sflag:s29], $0x1  }
0xbc: {  	[sflag:s29] =	ssyncadd.s32 $0xFFFFFFFF  }
0xbd: {  	_ =	strace $0x9000004B  }
0xbe: {  	_ =	sfence  }
0xbf: {  	s30 =	sld [smem:$0x0];
	_ =	sdelay $0x2  }
0xc0: {  	s31 =	sshll.u32 s1, $0xD;
	s1 =	sshrl.u32 s1, $0x2  }
0xc1: {  	s3 =	sand.u32 $0x4000, s31;
	s1 =	sadd.s32 s1, s30  }
0xc2: {  	s0 =	sor.u32 s3, s0;
	s1 =	sshll.u32 s1, $0x11  }
0xc3: {  	s0 =	sor.u32 s1, s0  }
0xc4: {  	s0 =	sadd.s32 $0x8F2B, s0  }
0xc5: {  	[sflag:s0] =	ssyncadd.remote.s32 $0x1  }
0xc6: {  	_ =	sfence.sel $0xFFFF  }
0xc7: {  	[dreg:$0x0] =	wrdreg $0xFFFFFFFF;
	(pc) =	sbr.abs _section_cstart, $3  }
0xc8: {  	[dreg:$0x1] =	wrdreg $0xFFFFFFFF  }
0xc9: {  	_ =	task.clear_ibuf [dreg:s8], $0x2FFFF;
	_ =	strace $0x9FFFFFFF  }
0xca: {  	(tm) =	ssettm $0x7FFFFFFF  }
0xcb: {  	_ =	shalt  }
tec
execute0_lowered:
.L_overlay_start_1:
0x0: {  	(tag) =	ssettag $0x1  }
0x1: {  	s1 =	rddreg [dreg:$0x0]  }
0x2: {  	s0 =	rddreg [dreg:$0x1]  }
0x3: {  	s2 =	rddreg [dreg:$0x2]  }
0x4: {  	s3 =	rddreg [dreg:$0x3]  }
0x5: {  	s5 =	srdreg.scid;
	s4 =	simm.s32 $0x0;
	s11 =	stileid.u32  }
0x6: {  	s28 =	simm.s32 $0x8000;
	s29 =	simm.s32 $0x50;
	s30 =	simm.s32 $0x1  }
0x7: {  	s31 =	simm.s32 $0x0;
	s6 =	sand.u32 $0x1, s5;
	s9 =	smul.u32 $0x50000, s11  }
0x8: {  	[smem:$0x7FF] =	sst s4;
	s7 =	sshll.u32 s11, $0xB;
	s11 =	smul.u32 $0x14000, s11  }
0x9: {  	s5 =	sshll.u32 s6, $0xF;
	_ =	strace $0x8000004A;
	s8 =	ssub.s32 $0x2, s6  }
0xa: {  	s10 =	smul.u32 $0x140000, s6;
	s5 =	sor.u32 s7, s5;
	s24 =	sshrl.u32 s8, $0x1  }
0xb: {  	s25 =	sshrl.u32 s9, $0x2;
	s7 =	sadd.s32 s5, s0;
	s0 =	sadd.s32 $0x22A00, s0  }
0xc: {  	s13 =	sadd.s32 s11, s10;
	[dreg:$0x5] =	wrdreg s0;
	s0 =	ssub.s32 s8, s24  }
0xd: {  	s6 =	sadd.s32 $0x12A00, s7;
	s7 =	sadd.s32 $0x2A00, s7;
	s8 =	sadd.s32 s25, s3  }
0xe: {  	s26 =	sshrl.u32 s13, $0x3;
	s25 =	simm.s32 $0x2;
	s9 =	smax.u32 s0, $0x1  }
0xf: {  	s10 =	sadd.s32 $0x2800, s8;
	s11 =	sadd.s32 $0x5000, s8;
	s12 =	sadd.s32 $0x7800, s8  }
0x10: {  	s13 =	sadd.s32 $0xA000, s8;
	s14 =	sadd.s32 $0xC800, s8;
	s15 =	sadd.s32 s2, s26  }
0x11: {  	s16 =	sadd.s32 $0xF000, s8;
	s17 =	sadd.s32 $0x11800, s8;
	s18 =	sadd.s32 $0x500, s15  }
0x12: {  	s19 =	sadd.s32 $0xA00, s15;
	s20 =	sadd.s32 $0xF00, s15;
	s21 =	sadd.s32 $0x1400, s15  }
0x13: {  	s22 =	sadd.s32 $0x1900, s15;
	s23 =	sadd.s32 $0x1E00, s15;
	s24 =	sadd.s32 $0x2300, s15  }
.LBB2_1:
0x14: {  	[tilespmem:s4], [sflag:$0x2] =	stream.linear.gather [hbm4b:s6+s4], $0x3E80, $0x38;
	[tilespmem:$0x1E800] =	vst v63  }
0x15: {  	_ =	swait.ge [sflag:s25], $0x3E80  }
0x16: {  	[sflag:s25] =	ssyncset.done $0x0  }
0x17: {  	s0 =	simm.s32 $0x4000;
	[sflag:s25] =	ssyncadd.s32 $0xFFFFC180  }
0x18: {  	[tilespmem:s0], [sflag:$0x2] =	stream.linear.gather [hbm4b:s7+s4], $0x3E80, $0x38;
	[tilespmem:$0x1E800] =	vst v63  }
0x19: {  	_ =	swait.ge [sflag:s25], $0x3E80  }
0x1a: {  	[sflag:s25] =	ssyncset.done $0x0  }
0x1b: {  	s2 =	rddreg [dreg:$0x5];
	[sflag:s25] =	ssyncadd.s32 $0xFFFFC180  }
0x1c: {  	[tilespmem:s28], [sflag:$0x2] =	stream.linear.gather [hbm4b:s2+s4], $0x2800, $0x38;
	[tilespmem:$0x1E800] =	vst v63  }
0x1d: {  	_ =	swait.ge [sflag:s25], $0x2800  }
0x1e: {  	[sflag:s25] =	ssyncset.done $0x0  }
0x1f: {  	[sflag:s25] =	ssyncadd.s32 $0xFFFFD800  }
0x20: {  	[spmem:s8] =	stream.linear.scatter [tilespmem:s28], [sflag:$0x2], $0x2800, $0x38;
	[tilespmem:$0x1E800] =	vst v63  }
0x21: {  	_ =	swait.ge [sflag:s25], $0x2800  }
0x22: {  	[sflag:s25] =	ssyncset.done $0x0  }
0x23: {  	[sflag:s25] =	ssyncadd.s32 $0xFFFFD800  }
0x24: {  	[spmem:s10] =	stream.linear.scatter [tilespmem:s28], [sflag:$0x2], $0x2800, $0x38;
	[tilespmem:$0x1E800] =	vst v63  }
0x25: {  	_ =	swait.ge [sflag:s25], $0x2800  }
0x26: {  	[sflag:s25] =	ssyncset.done $0x0  }
0x27: {  	[sflag:s25] =	ssyncadd.s32 $0xFFFFD800  }
0x28: {  	[spmem:s11] =	stream.linear.scatter [tilespmem:s28], [sflag:$0x2], $0x2800, $0x38;
	[tilespmem:$0x1E800] =	vst v63  }
0x29: {  	_ =	swait.ge [sflag:s25], $0x2800  }
0x2a: {  	[sflag:s25] =	ssyncset.done $0x0  }
0x2b: {  	[sflag:s25] =	ssyncadd.s32 $0xFFFFD800  }
0x2c: {  	[spmem:s12] =	stream.linear.scatter [tilespmem:s28], [sflag:$0x2], $0x2800, $0x38;
	[tilespmem:$0x1E800] =	vst v63  }
0x2d: {  	_ =	swait.ge [sflag:s25], $0x2800  }
0x2e: {  	[sflag:s25] =	ssyncset.done $0x0  }
0x2f: {  	[sflag:s25] =	ssyncadd.s32 $0xFFFFD800  }
0x30: {  	[spmem:s13] =	stream.linear.scatter [tilespmem:s28], [sflag:$0x2], $0x2800, $0x38;
	[tilespmem:$0x1E800] =	vst v63  }
0x31: {  	_ =	swait.ge [sflag:s25], $0x2800  }
0x32: {  	[sflag:s25] =	ssyncset.done $0x0  }
0x33: {  	[sflag:s25] =	ssyncadd.s32 $0xFFFFD800  }
0x34: {  	[spmem:s14] =	stream.linear.scatter [tilespmem:s28], [sflag:$0x2], $0x2800, $0x38;
	[tilespmem:$0x1E800] =	vst v63  }
0x35: {  	_ =	swait.ge [sflag:s25], $0x2800  }
0x36: {  	[sflag:s25] =	ssyncset.done $0x0  }
0x37: {  	[sflag:s25] =	ssyncadd.s32 $0xFFFFD800  }
0x38: {  	[spmem:s16] =	stream.linear.scatter [tilespmem:s28], [sflag:$0x2], $0x2800, $0x38;
	[tilespmem:$0x1E800] =	vst v63  }
0x39: {  	_ =	swait.ge [sflag:s25], $0x2800  }
0x3a: {  	[sflag:s25] =	ssyncset.done $0x0  }
0x3b: {  	[sflag:s25] =	ssyncadd.s32 $0xFFFFD800  }
0x3c: {  	[spmem:s17] =	stream.linear.scatter [tilespmem:s28], [sflag:$0x2], $0x2800, $0x38;
	[tilespmem:$0x1E800] =	vst v63  }
0x3d: {  	_ =	swait.ge [sflag:s25], $0x2800  }
0x3e: {  	[sflag:s25] =	ssyncset.done $0x0  }
0x3f: {  	[sflag:s25] =	ssyncadd.s32 $0xFFFFD800  }
0x40: {  	s5 =	simm.s32 $0x0;
	[bflag:$0x0] =	sbarrier.arrive $0xFFFF  }
0x41: {  	[tilespmem:s28], [sflag:$0x1] =	stream.indirect.gather [hbm4b:s1+s29], $0x80, s5, s29, $0xb8;
	[tilespmem:$0x1E800] =	vst v63  }
0x42: {  	_ =	swait.ge [sflag:s30], $0x2800  }
0x43: {  	[sflag:s30] =	ssyncset.done $0x0  }
0x44: {  	s26 =	simm.s32 $0x4000;
	[sflag:s30] =	ssyncadd.s32 $0xFFFFD800  }
0x45: {  	[spmem:s3] =	stream.indirect.scatter.add.f32 [tilespmem:s28], [sflag:$0x2], $0x80, s26, s29, $0xb8;
	[tilespmem:$0x1E800] =	vst v63  }
0x46: {  	_ =	swait.ge [sflag:s25], $0x2800  }
0x47: {  	s0 =	simm.s32 $0x200;
	s2 =	simm.s32 $0x400;
	[sflag:s25] =	ssyncset.done $0x0  }
.LBB2_2:
0x48: {  	s26 =	sshra.s32 s0, $0x2  }
0x49: {  	[sflag:s25] =	ssyncadd.s32 $0xFFFFD800;
	s0 =	smov.u32 s2;
	s5 =	sadd.s32 $0x200, s2  }
0x4a: {  	[tilespmem:s28], [sflag:$0x1] =	stream.indirect.gather [hbm4b:s1+s29], $0x80, s26, s29, $0xb8;
	[tilespmem:$0x1E800] =	vst v63  }
0x4b: {  	p0 =	sne.s32 s2, $0xF800;
	_ =	swait.ge [sflag:s30], $0x2800  }
.Ltmp0:
0x4c: {  	[sflag:s30] =	ssyncset.done $0x0;
	(pc) =	sbr.rel @p0 .LBB2_2-.Ltmp0, $4  }
0x4d: {  	s2 =	sadd.s32 $0x4000, s26;
	[sflag:s30] =	ssyncadd.s32 $0xFFFFD800  }
0x4e: {  	[spmem:s3] =	stream.indirect.scatter.add.f32 [tilespmem:s28], [sflag:$0x2], $0x80, s2, s29, $0xb8;
	[tilespmem:$0x1E800] =	vst v63  }
0x4f: {  	_ =	swait.ge [sflag:s25], $0x2800  }
0x50: {  	s2 =	smov.u32 s5;
	[sflag:s25] =	ssyncset.done $0x0  }
0x51: {  	s0 =	sshra.s32 s0, $0x2;
	[sflag:s25] =	ssyncadd.s32 $0xFFFFD800  }
0x52: {  	[tilespmem:s28], [sflag:$0x1] =	stream.indirect.gather [hbm4b:s1+s29], $0x80, s0, s29, $0xb8;
	[tilespmem:$0x1E800] =	vst v63  }
0x53: {  	_ =	swait.ge [sflag:s30], $0x2800  }
0x54: {  	[sflag:s30] =	ssyncset.done $0x0  }
0x55: {  	s0 =	sadd.s32 $0x4000, s0;
	[sflag:s30] =	ssyncadd.s32 $0xFFFFD800  }
0x56: {  	[spmem:s3] =	stream.indirect.scatter.add.f32 [tilespmem:s28], [sflag:$0x2], $0x80, s0, s29, $0xb8;
	[tilespmem:$0x1E800] =	vst v63  }
0x57: {  	_ =	swait.ge [sflag:s25], $0x2800  }
0x58: {  	[sflag:s25] =	ssyncset.done $0x0  }
0x59: {  	[sflag:s25] =	ssyncadd.s32 $0xFFFFD800  }
0x5a: {  	[bflag:$0x0] =	sbarrier.arrive $0xFFFF  }
0x5b: {  	[tilespmem:s28], [sflag:$0x2] =	stream.linear.gather [spmem:s8], $0x2800, $0x38;
	[tilespmem:$0x1E800] =	vst v63  }
0x5c: {  	_ =	swait.ge [sflag:s25], $0x2800  }
0x5d: {  	[sflag:s25] =	ssyncset.done $0x0  }
0x5e: {  	[sflag:s25] =	ssyncadd.s32 $0xFFFFD800  }
0x5f: {  	[hbm4b:s15+s4] =	stream.linear.scatter [tilespmem:s28], [sflag:$0x2], $0x2800, $0x38;
	[tilespmem:$0x1E800] =	vst v63  }
0x60: {  	_ =	swait.ge [sflag:s25], $0x2800  }
0x61: {  	[sflag:s25] =	ssyncset.done $0x0  }
0x62: {  	[sflag:s25] =	ssyncadd.s32 $0xFFFFD800  }
0x63: {  	[tilespmem:s28], [sflag:$0x2] =	stream.linear.gather [spmem:s10], $0x2800, $0x38;
	[tilespmem:$0x1E800] =	vst v63  }
0x64: {  	_ =	swait.ge [sflag:s25], $0x2800  }
0x65: {  	[sflag:s25] =	ssyncset.done $0x0  }
0x66: {  	[sflag:s25] =	ssyncadd.s32 $0xFFFFD800  }
0x67: {  	[hbm4b:s18+s4] =	stream.linear.scatter [tilespmem:s28], [sflag:$0x2], $0x2800, $0x38;
	[tilespmem:$0x1E800] =	vst v63  }
0x68: {  	_ =	swait.ge [sflag:s25], $0x2800  }
0x69: {  	[sflag:s25] =	ssyncset.done $0x0  }
0x6a: {  	[sflag:s25] =	ssyncadd.s32 $0xFFFFD800  }
0x6b: {  	[tilespmem:s28], [sflag:$0x2] =	stream.linear.gather [spmem:s11], $0x2800, $0x38;
	[tilespmem:$0x1E800] =	vst v63  }
0x6c: {  	_ =	swait.ge [sflag:s25], $0x2800  }
0x6d: {  	[sflag:s25] =	ssyncset.done $0x0  }
0x6e: {  	[sflag:s25] =	ssyncadd.s32 $0xFFFFD800  }
0x6f: {  	[hbm4b:s19+s4] =	stream.linear.scatter [tilespmem:s28], [sflag:$0x2], $0x2800, $0x38;
	[tilespmem:$0x1E800] =	vst v63  }
0x70: {  	_ =	swait.ge [sflag:s25], $0x2800  }
0x71: {  	[sflag:s25] =	ssyncset.done $0x0  }
0x72: {  	[sflag:s25] =	ssyncadd.s32 $0xFFFFD800  }
0x73: {  	[tilespmem:s28], [sflag:$0x2] =	stream.linear.gather [spmem:s12], $0x2800, $0x38;
	[tilespmem:$0x1E800] =	vst v63  }
0x74: {  	_ =	swait.ge [sflag:s25], $0x2800  }
0x75: {  	[sflag:s25] =	ssyncset.done $0x0  }
0x76: {  	[sflag:s25] =	ssyncadd.s32 $0xFFFFD800  }
0x77: {  	[hbm4b:s20+s4] =	stream.linear.scatter [tilespmem:s28], [sflag:$0x2], $0x2800, $0x38;
	[tilespmem:$0x1E800] =	vst v63  }
0x78: {  	_ =	swait.ge [sflag:s25], $0x2800  }
0x79: {  	[sflag:s25] =	ssyncset.done $0x0  }
0x7a: {  	[sflag:s25] =	ssyncadd.s32 $0xFFFFD800  }
0x7b: {  	[tilespmem:s28], [sflag:$0x2] =	stream.linear.gather [spmem:s13], $0x2800, $0x38;
	[tilespmem:$0x1E800] =	vst v63  }
0x7c: {  	_ =	swait.ge [sflag:s25], $0x2800  }
0x7d: {  	[sflag:s25] =	ssyncset.done $0x0  }
0x7e: {  	[sflag:s25] =	ssyncadd.s32 $0xFFFFD800  }
0x7f: {  	[hbm4b:s21+s4] =	stream.linear.scatter [tilespmem:s28], [sflag:$0x2], $0x2800, $0x38;
	[tilespmem:$0x1E800] =	vst v63  }
0x80: {  	_ =	swait.ge [sflag:s25], $0x2800  }
0x81: {  	[sflag:s25] =	ssyncset.done $0x0  }
0x82: {  	[sflag:s25] =	ssyncadd.s32 $0xFFFFD800  }
0x83: {  	[tilespmem:s28], [sflag:$0x2] =	stream.linear.gather [spmem:s14], $0x2800, $0x38;
	[tilespmem:$0x1E800] =	vst v63  }
0x84: {  	_ =	swait.ge [sflag:s25], $0x2800  }
0x85: {  	[sflag:s25] =	ssyncset.done $0x0  }
0x86: {  	[sflag:s25] =	ssyncadd.s32 $0xFFFFD800  }
0x87: {  	[hbm4b:s22+s4] =	stream.linear.scatter [tilespmem:s28], [sflag:$0x2], $0x2800, $0x38;
	[tilespmem:$0x1E800] =	vst v63  }
0x88: {  	_ =	swait.ge [sflag:s25], $0x2800  }
0x89: {  	[sflag:s25] =	ssyncset.done $0x0  }
0x8a: {  	[sflag:s25] =	ssyncadd.s32 $0xFFFFD800  }
0x8b: {  	[tilespmem:s28], [sflag:$0x2] =	stream.linear.gather [spmem:s16], $0x2800, $0x38;
	[tilespmem:$0x1E800] =	vst v63  }
0x8c: {  	_ =	swait.ge [sflag:s25], $0x2800  }
0x8d: {  	[sflag:s25] =	ssyncset.done $0x0  }
0x8e: {  	[sflag:s25] =	ssyncadd.s32 $0xFFFFD800  }
0x8f: {  	[hbm4b:s23+s4] =	stream.linear.scatter [tilespmem:s28], [sflag:$0x2], $0x2800, $0x38;
	[tilespmem:$0x1E800] =	vst v63  }
0x90: {  	_ =	swait.ge [sflag:s25], $0x2800  }
0x91: {  	[sflag:s25] =	ssyncset.done $0x0  }
0x92: {  	[sflag:s25] =	ssyncadd.s32 $0xFFFFD800  }
0x93: {  	[tilespmem:s28], [sflag:$0x2] =	stream.linear.gather [spmem:s17], $0x2800, $0x38;
	[tilespmem:$0x1E800] =	vst v63  }
0x94: {  	s31 =	sadd.s32 $0x1, s31;
	_ =	swait.ge [sflag:s25], $0x2800  }
0x95: {  	p0 =	sne.s32 s31, s9;
	[sflag:s25] =	ssyncset.done $0x0  }
.Ltmp1:
0x96: {  	[sflag:s25] =	ssyncadd.s32 $0xFFFFD800;
	(pc) =	sbr.rel @p0 .LBB2_1-.Ltmp1, $4  }
0x97: {  	[hbm4b:s24+s4] =	stream.linear.scatter [tilespmem:s28], [sflag:$0x2], $0x2800, $0x38;
	[tilespmem:$0x1E800] =	vst v63  }
0x98: {  	_ =	swait.ge [sflag:s25], $0x2800  }
0x99: {  	[sflag:s25] =	ssyncset.done $0x0  }
0x9a: {  	[sflag:s25] =	ssyncadd.s32 $0xFFFFD800  }
0x9b: {  	_ =	sfence.sel $0x180000  }
0x9c: {  	[bflag:$0x0] =	sbarrier.arrive $0xFFFF  }
0x9d: {  	_ =	strace $0x9000004A  }
0x9e: {  	s0 =	stileid.u32;
	[bflag:$0x2] =	sbarrier.arrive $0xFFFF  }
0x9f: {  	p0 =	sne.s32 s0, $0x0;
	s0 =	rddreg [dreg:$0x4]  }
0xa0: {  	s0 =	sadd.s32 @!p0 $0x100000, s0  }
0xa1: {  	[sflag:s0] =	ssyncadd.tile.s32 @!p0 $0x1;
	_ =	shalt  }
.Lfunc_end2:
_tile_overlayer_lowered:
.L_overlay_start_2:
0xa2: {  	(tag) =	ssettag $0x2  }
0xa3: {  	s0 =	rddreg [dreg:$0x0];
	s2 =	stileid.u32  }
0xa4: {  	s1 =	rddreg [dreg:$0x1];
	p0 =	sne.s32 s2, $0x0  }
0xa5: {  	s3 =	rddreg [dreg:$0x2];
	[bflag:$0x3] =	sbarrier.arrive $0xFFFF;
	s2 =	simm.s32 @!p0 $0x1C02  }
0xa6: {  	[timem:s3], [sflag:s2] =	dma.local @!p0 [hbm:s0], s1  }
0xa7: {  	s0 =	simm.s32 @!p0 $0x2  }
0xa8: {  	_ =	swait.ge @!p0 [sflag:s0], s1  }
0xa9: {  	s1 =	ssub.s32 @!p0 $0x0, s1;
	[sflag:s0] =	ssyncset.done @!p0 $0x0  }
0xaa: {  	[sflag:s0] =	ssyncadd.s32 @!p0 s1  }
0xab: {  	[bflag:$0x3] =	sbarrier.arrive $0xFFFF  }
0xac: {  	_ =	shalt  }

// kernel: kernel.15.cloned.1.call-start
scs
__scs_entry_jumppad:
0x0: {  	(pc) =	sbr.rel $0x88, $3  }
0x1: {  	(tag) =	ssettag $0x0;
	lr =	simm.s32 $0x1  }
0x2: {  	[smem:$0x3F98] =	sst lr;
	_ =	strace $0xD0000000  }
0x3: {  	_ = 	snop  }
0x4: {  	_ = 	snop  }
0x5: {  	_ = 	snop  }
0x6: {  	_ = 	snop  }
0x7: {  	_ = 	snop  }
__scs_overlays_trampoline_lowered:
0x8: {  	[smem:$0x3FA7] =	sst s0  }
0x9: {  	[smem:$0x3FA8] =	sst s1  }
0xa: {  	[smem:$0x3FA9] =	sst s2  }
0xb: {  	[smem:$0x3FAA] =	sst s3  }
0xc: {  	[smem:$0x3FAB] =	sst s4  }
0xd: {  	[smem:$0x3FAC] =	sst s5  }
0xe: {  	[smem:$0x3FAD] =	sst s6  }
0xf: {  	[smem:$0x3FAE] =	sst s7  }
0x10: {  	[smem:$0x3FAF] =	sst s8  }
0x11: {  	[smem:$0x3FB0] =	sst s9;
	s0 =	simm.s32 @!p0 $0x0  }
0x12: {  	s1 =	sld [smem:$0x3F96];
	s0 =	simm.s32 @p0 $0x1  }
0x13: {  	[smem:$0x3FB1] =	sst s0;
	s0 =	simm.s32 @!p1 $0x0  }
0x14: {  	s2 =	sld [smem:$0x3F95];
	s0 =	simm.s32 @p1 $0x1  }
0x15: {  	[smem:$0x3FB2] =	sst s0;
	s0 =	simm.s32 @!p2 $0x0  }
0x16: {  	s3 =	sld [smem:$0x3FDB];
	s0 =	simm.s32 @p2 $0x1  }
0x17: {  	s4 =	simm.s32 $0x1BF5;
	[smem:$0x3FB4] =	sst s0  }
0x18: {  	s0 =	sld [smem:$0x3F97];
	_ =	swait.ge [sflag:s4], $0x0  }
0x19: {  	s7 =	sld [smem:$0x3F98]  }
0x1a: {  	s8 =	sadd.s32 $0xFFFFE003, lr  }
0x1b: {  	s9 =	sadd.s32 $0xFFFFFEF7, lr;
	s5 =	simm.s32 $0xFFFFFFFF;
	p2 =	slt.u32 s8, $0xFFFFF086  }
0x1c: {  	p1 =	slt.u32 s9, $0xF7A;
	s5 =	simm.s32 @!p2 $0x0  }
0x1d: {  	s5 =	simm.s32 @p1 $0x1;
	p0 =	seq.s32 s7, s2  }
0x1e: {  	s7 =	smul.u32 @!p0 $0xF7A, s2;
	p2 =	seq.s32 @!p0 s5, $0x0  }
0x1f: {  	s9 =	smul.u32 $0xF7A, s1;
	s8 =	simm.s32 @!p0 $0x1BF5;
	p2 =	por !p2, p0  }
0x20: {  	[sflag:s8] =	ssyncset.s32 @!p0 $0xFFFFF086;
	s6 =	sadd.s32 @!p0 s3, s7;
	s7 =	simm.s32 @!p0 $0x108  }
0x21: {  	s3 =	sadd.s32 s3, s9;
	s6 =	sadd.s32 @!p0 $0x88, s6;
	s7 =	simm.s32 @p2 $0x1082  }
0x22: {  	[simem:s7], [sflag:s8] =	dma.local @!p0 [hbm:s6], $0xF7A  }
0x23: {  	s9 =	sor.u32 $0xD0000000, s2;
	s6 =	simm.s32 $0x108;
	_ =	swait.ge @!p0 [sflag:s8], $0x0  }
0x24: {  	s3 =	sadd.s32 $0x88, s3;
	s6 =	simm.s32 @!p1 $0x1082;
	[sflag:s4] =	ssyncset.s32 $0xFFFFF086  }
0x25: {  	[simem:s6], [sflag:s4] =	dma.local [hbm:s3], $0xF7A  }
0x26: {  	[smem:$0x3F98] =	sst s1;
	(tag) =	ssettag s2;
	_ =	strace s9  }
0x27: {  	s1 =	sld [smem:$0x3FA8]  }
0x28: {  	s2 =	sld [smem:$0x3FA9]  }
0x29: {  	s4 =	sld [smem:$0x3FAB]  }
0x2a: {  	p0 =	seq.s32 s5, $0x0;
	s5 =	sld [smem:$0x3FAC]  }
0x2b: {  	s6 =	sld [smem:$0x3FAD]  }
0x2c: {  	s7 =	sld [smem:$0x3FAE]  }
0x2d: {  	s3 =	simm.s32 $0x108;
	s8 =	sld [smem:$0x3FAF]  }
0x2e: {  	s3 =	simm.s32 @!p0 $0x1082;
	s9 =	sld [smem:$0x3FB0]  }
0x2f: {  	lr =	sadd.s32 s0, s3;
	s0 =	sld [smem:$0x3FA7]  }
0x30: {  	s3 =	sld [smem:$0x3FAA]  }
0x31: {  	[smem:$0x3FB3] =	sst s10  }
0x32: {  	s10 =	sld [smem:$0x3FB1];
	_ =	sdelay $0x3  }
0x33: {  	p0 =	seq.s32 s10, $0x1;
	s10 =	sld [smem:$0x3FB3];
	_ =	sdelay $0x3  }
0x34: {  	[smem:$0x3FB3] =	sst s10  }
0x35: {  	s10 =	sld [smem:$0x3FB2];
	_ =	sdelay $0x3  }
0x36: {  	p1 =	seq.s32 s10, $0x1;
	s10 =	sld [smem:$0x3FB3];
	_ =	sdelay $0x3  }
0x37: {  	[smem:$0x3FB3] =	sst s10  }
0x38: {  	s10 =	sld [smem:$0x3FB4]  }
0x39: {  	_ = 	snop;
	(pc) =	sbr.ind lr, $3  }
0x3a: {  	_ = 	snop  }
0x3b: {  	_ = 	snop  }
0x3c: {  	p2 =	seq.s32 s10, $0x1;
	s10 =	sld [smem:$0x3FB3]  }
0x3d: {  	_ =	shalt  }
0x3e: {  	_ =	shalt  }
0x3f: {  	_ =	shalt  }
0x40: {  	_ =	shalt  }
0x41: {  	_ =	shalt  }
0x42: {  	_ =	shalt  }
0x43: {  	_ =	shalt  }
0x44: {  	_ =	shalt  }
0x45: {  	_ =	shalt  }
0x46: {  	_ =	shalt  }
0x47: {  	_ =	shalt  }
0x48: {  	_ =	shalt  }
0x49: {  	_ =	shalt  }
0x4a: {  	_ =	shalt  }
0x4b: {  	_ =	shalt  }
0x4c: {  	_ =	shalt  }
0x4d: {  	_ =	shalt  }
0x4e: {  	_ =	shalt  }
0x4f: {  	_ =	shalt  }
0x50: {  	_ =	shalt  }
0x51: {  	_ =	shalt  }
0x52: {  	_ =	shalt  }
0x53: {  	_ =	shalt  }
0x54: {  	_ =	shalt  }
0x55: {  	_ =	shalt  }
0x56: {  	_ =	shalt  }
0x57: {  	_ =	shalt  }
0x58: {  	_ =	shalt  }
0x59: {  	_ =	shalt  }
0x5a: {  	_ =	shalt  }
0x5b: {  	_ =	shalt  }
0x5c: {  	_ =	shalt  }
0x5d: {  	_ =	shalt  }
0x5e: {  	_ =	shalt  }
0x5f: {  	_ =	shalt  }
0x60: {  	_ =	shalt  }
0x61: {  	_ =	shalt  }
0x62: {  	_ =	shalt  }
0x63: {  	_ =	shalt  }
0x64: {  	_ =	shalt  }
0x65: {  	_ =	shalt  }
0x66: {  	_ =	shalt  }
0x67: {  	_ =	shalt  }
0x68: {  	_ =	shalt  }
0x69: {  	_ =	shalt  }
0x6a: {  	_ =	shalt  }
0x6b: {  	_ =	shalt  }
0x6c: {  	_ =	shalt  }
0x6d: {  	_ =	shalt  }
0x6e: {  	_ =	shalt  }
0x6f: {  	_ =	shalt  }
0x70: {  	_ =	shalt  }
0x71: {  	_ =	shalt  }
0x72: {  	_ =	shalt  }
0x73: {  	_ =	shalt  }
0x74: {  	_ =	shalt  }
0x75: {  	_ =	shalt  }
0x76: {  	_ =	shalt  }
0x77: {  	_ =	shalt  }
0x78: {  	_ =	shalt  }
0x79: {  	_ =	shalt  }
0x7a: {  	_ =	shalt  }
0x7b: {  	_ =	shalt  }
0x7c: {  	_ =	shalt  }
0x7d: {  	_ =	shalt  }
0x7e: {  	_ =	shalt  }
0x7f: {  	_ =	shalt  }
0x80: {  	_ =	shalt  }
0x81: {  	_ =	shalt  }
0x82: {  	_ =	shalt  }
0x83: {  	_ =	shalt  }
0x84: {  	_ =	shalt  }
0x85: {  	_ =	shalt  }
0x86: {  	_ =	shalt  }
0x87: {  	_ =	shalt  }
.Lfunc_end0:
.L_simem_size_0:
called_computation.2_lowered:
.L_overlay_start_0:
0x88: {  	s2 =	sld [smem:$0x3FD9]  }
0x89: {  	s3 =	sld [smem:$0x3FFE];
	_ =	sdelay $0x1  }
0x8a: {  	s1 =	srdreg.scid  }
0x8b: {  	s0 =	sand.u32 $0x1, s1  }
0x8c: {  	s14 =	sshll.u32 s0, $0xA;
	s2 =	sadd.s32 s3, s2  }
0x8d: {  	s2 =	sadd.s32 s2, s14  }
0x8e: {  	[smem:$0x3FBF] =	sst s2  }
0x8f: {  	_ = 	snop  }
0x90: {  	s2 =	sld [smem:$0x3FD0];
	_ =	sdelay $0x2  }
0x91: {  	s15 =	simm.s32 $0xA;
	s4 =	simm.s32 $0x10  }
0x92: {  	[smem:s4], [sflag:s15] =	dma.local [hbm:s2], $0x1  }
0x93: {  	_ =	swait.eq [sflag:s15], $0x1  }
0x94: {  	[sflag:s15] =	ssyncset.done $0x0  }
0x95: {  	s16 =	sld [smem:$0x10];
	[sflag:s15] =	ssyncadd.s32 $0xFFFFFFFF  }
0x96: {  	s17 =	sld [smem:$0x11];
	(tm) =	ssettm $0x1  }
0x97: {  	s18 =	sld [smem:$0x3FFB];
	_ =	sdelay $0x3  }
0x98: {  	_ =	strace s18  }
0x99: {  	s4 =	sld [smem:$0x3FFC];
	_ =	sdelay $0x3  }
0x9a: {  	_ =	strace s4  }
0x9b: {  	s4 =	sld [smem:$0x3FFD];
	_ =	sdelay $0x3  }
0x9c: {  	_ =	strace s4  }
0x9d: {  	_ =	strace $0x8FFFFFFF  }
0x9e: {  	s19 =	sld [smem:$0x3FDB];
	_ =	sdelay $0x1  }
0x9f: {  	s5 =	simm.s32 $_scs_section_size  }
0xa0: {  	s6 =	simm.s32 $_size__tile_overlayer_lowered;
	s7 =	simm.s32 $_tile_overlayer_lowered  }
0xa1: {  	s22 =	simm.s32 $0x1BFF;
	s21 =	sshll.u32 s7, $0x1;
	s4 =	sadd.s32 s5, s19  }
0xa2: {  	s8 =	simm.s32 $0x0;
	s20 =	sshll.u32 s6, $0x1;
	s6 =	sadd.s32 s21, s4  }
0xa3: {  	[timem:s8], [sflag:s22] =	dma.local [hbm:s6], s20  }
0xa4: {  	_ =	swait.ge [sflag:s22], s20  }
0xa5: {  	s5 =	ssub.s32 $0x0, s20;
	[sflag:s22] =	ssyncset.done $0x0  }
0xa6: {  	[sflag:s22] =	ssyncadd.s32 s5;
	_ =	sdelay $0x1  }
0xa7: {  	s23 =	simm.s32 $0x1B8B  }
0xa8: {  	_ =	swait.ge [sflag:s23], $0x1  }
0xa9: {  	[sflag:s23] =	ssyncset.done $0x0  }
0xaa: {  	s25 =	simm.s32 $0x1B8E;
	s24 =	sld [smem:$0x3FFE];
	[sflag:s23] =	ssyncadd.s32 $0xFFFFFFFF  }
0xab: {  	s26 =	simm.s32 $execute0_lowered;
	[smem:$0x3FD2] =	sst s25  }
0xac: {  	s6 =	sshll.u32 s26, $0x1;
	_ =	strace $0x8000004C;
	[dreg:$0x1] =	wrdreg $0xFFFFFFFF  }
0xad: {  	s28 =	simm.s32 $_size_execute0_lowered;
	s4 =	sadd.s32 s4, s6;
	[dreg:$0x0] =	wrdreg $0x0  }
0xae: {  	s6 =	sshll.u32 s28, $0x1;
	[dreg:$0x2] =	wrdreg s4  }
0xaf: {  	[dreg:$0x3] =	wrdreg s6  }
0xb0: {  	[dreg:$0x4] =	wrdreg $0xC0  }
0xb1: {  	_ =	task [dreg:s8], $0x5FFFF  }
0xb2: {  	[dreg:$0x1] =	wrdreg $0xFFFFFFFF  }
0xb3: {  	[dreg:$0x0] =	wrdreg $0x60  }
0xb4: {  	[dreg:$0x2] =	wrdreg s17  }
0xb5: {  	[dreg:$0x3] =	wrdreg s24  }
0xb6: {  	[dreg:$0x4] =	wrdreg s16  }
0xb7: {  	[dreg:$0x5] =	wrdreg $0xA8000  }
0xb8: {  	[dreg:$0x6] =	wrdreg $0x9  }
0xb9: {  	_ =	task.clear_ibuf [dreg:s8], $0x7FFFF;
	_ =	strace $0x9000004C  }
0xba: {  	s29 =	simm.s32 $0x9;
	_ =	strace $0x8000004E  }
0xbb: {  	_ =	swait.ge [sflag:s29], $0x1  }
0xbc: {  	[sflag:s29] =	ssyncadd.s32 $0xFFFFFFFF  }
0xbd: {  	_ =	strace $0x9000004E  }
0xbe: {  	_ =	sfence  }
0xbf: {  	s30 =	sld [smem:$0x0];
	_ =	sdelay $0x2  }
0xc0: {  	s31 =	sshll.u32 s1, $0xD;
	s1 =	sshrl.u32 s1, $0x2  }
0xc1: {  	s3 =	sand.u32 $0x4000, s31;
	s1 =	sadd.s32 s1, s30  }
0xc2: {  	s0 =	sor.u32 s3, s0;
	s1 =	sshll.u32 s1, $0x11  }
0xc3: {  	s0 =	sor.u32 s1, s0  }
0xc4: {  	s0 =	sadd.s32 $0x8F2B, s0  }
0xc5: {  	[sflag:s0] =	ssyncadd.remote.s32 $0x1  }
0xc6: {  	_ =	sfence.sel $0xFFFF  }
0xc7: {  	[dreg:$0x0] =	wrdreg $0xFFFFFFFF;
	(pc) =	sbr.abs _section_cstart, $3  }
0xc8: {  	[dreg:$0x1] =	wrdreg $0xFFFFFFFF  }
0xc9: {  	_ =	task.clear_ibuf [dreg:s8], $0x2FFFF;
	_ =	strace $0x9FFFFFFF  }
0xca: {  	(tm) =	ssettm $0x7FFFFFFF  }
0xcb: {  	_ =	shalt  }
tec
execute0_lowered:
.L_overlay_start_1:
0x0: {  	(tag) =	ssettag $0x1  }
0x1: {  	s1 =	rddreg [dreg:$0x0]  }
0x2: {  	s0 =	rddreg [dreg:$0x1]  }
0x3: {  	s2 =	rddreg [dreg:$0x2]  }
0x4: {  	s3 =	rddreg [dreg:$0x3]  }
0x5: {  	s5 =	srdreg.scid;
	s4 =	simm.s32 $0x0;
	s11 =	stileid.u32  }
0x6: {  	s28 =	simm.s32 $0x8000;
	s29 =	simm.s32 $0x50;
	s30 =	simm.s32 $0x1  }
0x7: {  	s31 =	simm.s32 $0x0;
	s6 =	sand.u32 $0x1, s5;
	s9 =	smul.u32 $0x50000, s11  }
0x8: {  	[smem:$0x7FF] =	sst s4;
	s7 =	sshll.u32 s11, $0xB;
	s11 =	smul.u32 $0x14000, s11  }
0x9: {  	s5 =	sshll.u32 s6, $0xF;
	_ =	strace $0x8000004D;
	s8 =	ssub.s32 $0x2, s6  }
0xa: {  	s10 =	smul.u32 $0x140000, s6;
	s5 =	sor.u32 s7, s5;
	s24 =	sshrl.u32 s8, $0x1  }
0xb: {  	s25 =	sshrl.u32 s9, $0x2;
	s7 =	sadd.s32 s5, s0;
	s0 =	sadd.s32 $0x22A00, s0  }
0xc: {  	s13 =	sadd.s32 s11, s10;
	[dreg:$0x5] =	wrdreg s0;
	s0 =	ssub.s32 s8, s24  }
0xd: {  	s6 =	sadd.s32 $0x12A00, s7;
	s7 =	sadd.s32 $0x2A00, s7;
	s8 =	sadd.s32 s25, s3  }
0xe: {  	s26 =	sshrl.u32 s13, $0x3;
	s25 =	simm.s32 $0x2;
	s9 =	smax.u32 s0, $0x1  }
0xf: {  	s10 =	sadd.s32 $0x2800, s8;
	s11 =	sadd.s32 $0x5000, s8;
	s12 =	sadd.s32 $0x7800, s8  }
0x10: {  	s13 =	sadd.s32 $0xA000, s8;
	s14 =	sadd.s32 $0xC800, s8;
	s15 =	sadd.s32 s2, s26  }
0x11: {  	s16 =	sadd.s32 $0xF000, s8;
	s17 =	sadd.s32 $0x11800, s8;
	s18 =	sadd.s32 $0x500, s15  }
0x12: {  	s19 =	sadd.s32 $0xA00, s15;
	s20 =	sadd.s32 $0xF00, s15;
	s21 =	sadd.s32 $0x1400, s15  }
0x13: {  	s22 =	sadd.s32 $0x1900, s15;
	s23 =	sadd.s32 $0x1E00, s15;
	s24 =	sadd.s32 $0x2300, s15  }
.LBB2_1:
0x14: {  	[tilespmem:s4], [sflag:$0x2] =	stream.linear.gather [hbm4b:s6+s4], $0x3E80, $0x38;
	[tilespmem:$0x1E800] =	vst v63  }
0x15: {  	_ =	swait.ge [sflag:s25], $0x3E80  }
0x16: {  	[sflag:s25] =	ssyncset.done $0x0  }
0x17: {  	s0 =	simm.s32 $0x4000;
	[sflag:s25] =	ssyncadd.s32 $0xFFFFC180  }
0x18: {  	[tilespmem:s0], [sflag:$0x2] =	stream.linear.gather [hbm4b:s7+s4], $0x3E80, $0x38;
	[tilespmem:$0x1E800] =	vst v63  }
0x19: {  	_ =	swait.ge [sflag:s25], $0x3E80  }
0x1a: {  	[sflag:s25] =	ssyncset.done $0x0  }
0x1b: {  	s2 =	rddreg [dreg:$0x5];
	[sflag:s25] =	ssyncadd.s32 $0xFFFFC180  }
0x1c: {  	[tilespmem:s28], [sflag:$0x2] =	stream.linear.gather [hbm4b:s2+s4], $0x2800, $0x38;
	[tilespmem:$0x1E800] =	vst v63  }
0x1d: {  	_ =	swait.ge [sflag:s25], $0x2800  }
0x1e: {  	[sflag:s25] =	ssyncset.done $0x0  }
0x1f: {  	[sflag:s25] =	ssyncadd.s32 $0xFFFFD800  }
0x20: {  	[spmem:s8] =	stream.linear.scatter [tilespmem:s28], [sflag:$0x2], $0x2800, $0x38;
	[tilespmem:$0x1E800] =	vst v63  }
0x21: {  	_ =	swait.ge [sflag:s25], $0x2800  }
0x22: {  	[sflag:s25] =	ssyncset.done $0x0  }
0x23: {  	[sflag:s25] =	ssyncadd.s32 $0xFFFFD800  }
0x24: {  	[spmem:s10] =	stream.linear.scatter [tilespmem:s28], [sflag:$0x2], $0x2800, $0x38;
	[tilespmem:$0x1E800] =	vst v63  }
0x25: {  	_ =	swait.ge [sflag:s25], $0x2800  }
0x26: {  	[sflag:s25] =	ssyncset.done $0x0  }
0x27: {  	[sflag:s25] =	ssyncadd.s32 $0xFFFFD800  }
0x28: {  	[spmem:s11] =	stream.linear.scatter [tilespmem:s28], [sflag:$0x2], $0x2800, $0x38;
	[tilespmem:$0x1E800] =	vst v63  }
0x29: {  	_ =	swait.ge [sflag:s25], $0x2800  }
0x2a: {  	[sflag:s25] =	ssyncset.done $0x0  }
0x2b: {  	[sflag:s25] =	ssyncadd.s32 $0xFFFFD800  }
0x2c: {  	[spmem:s12] =	stream.linear.scatter [tilespmem:s28], [sflag:$0x2], $0x2800, $0x38;
	[tilespmem:$0x1E800] =	vst v63  }
0x2d: {  	_ =	swait.ge [sflag:s25], $0x2800  }
0x2e: {  	[sflag:s25] =	ssyncset.done $0x0  }
0x2f: {  	[sflag:s25] =	ssyncadd.s32 $0xFFFFD800  }
0x30: {  	[spmem:s13] =	stream.linear.scatter [tilespmem:s28], [sflag:$0x2], $0x2800, $0x38;
	[tilespmem:$0x1E800] =	vst v63  }
0x31: {  	_ =	swait.ge [sflag:s25], $0x2800  }
0x32: {  	[sflag:s25] =	ssyncset.done $0x0  }
0x33: {  	[sflag:s25] =	ssyncadd.s32 $0xFFFFD800  }
0x34: {  	[spmem:s14] =	stream.linear.scatter [tilespmem:s28], [sflag:$0x2], $0x2800, $0x38;
	[tilespmem:$0x1E800] =	vst v63  }
0x35: {  	_ =	swait.ge [sflag:s25], $0x2800  }
0x36: {  	[sflag:s25] =	ssyncset.done $0x0  }
0x37: {  	[sflag:s25] =	ssyncadd.s32 $0xFFFFD800  }
0x38: {  	[spmem:s16] =	stream.linear.scatter [tilespmem:s28], [sflag:$0x2], $0x2800, $0x38;
	[tilespmem:$0x1E800] =	vst v63  }
0x39: {  	_ =	swait.ge [sflag:s25], $0x2800  }
0x3a: {  	[sflag:s25] =	ssyncset.done $0x0  }
0x3b: {  	[sflag:s25] =	ssyncadd.s32 $0xFFFFD800  }
0x3c: {  	[spmem:s17] =	stream.linear.scatter [tilespmem:s28], [sflag:$0x2], $0x2800, $0x38;
	[tilespmem:$0x1E800] =	vst v63  }
0x3d: {  	_ =	swait.ge [sflag:s25], $0x2800  }
0x3e: {  	[sflag:s25] =	ssyncset.done $0x0  }
0x3f: {  	[sflag:s25] =	ssyncadd.s32 $0xFFFFD800  }
0x40: {  	s5 =	simm.s32 $0x0;
	[bflag:$0x0] =	sbarrier.arrive $0xFFFF  }
0x41: {  	[tilespmem:s28], [sflag:$0x1] =	stream.indirect.gather [hbm4b:s1+s29], $0x80, s5, s29, $0xb8;
	[tilespmem:$0x1E800] =	vst v63  }
0x42: {  	_ =	swait.ge [sflag:s30], $0x2800  }
0x43: {  	[sflag:s30] =	ssyncset.done $0x0  }
0x44: {  	s26 =	simm.s32 $0x4000;
	[sflag:s30] =	ssyncadd.s32 $0xFFFFD800  }
0x45: {  	[spmem:s3] =	stream.indirect.scatter.add.f32 [tilespmem:s28], [sflag:$0x2], $0x80, s26, s29, $0xb8;
	[tilespmem:$0x1E800] =	vst v63  }
0x46: {  	_ =	swait.ge [sflag:s25], $0x2800  }
0x47: {  	s0 =	simm.s32 $0x200;
	s2 =	simm.s32 $0x400;
	[sflag:s25] =	ssyncset.done $0x0  }
.LBB2_2:
0x48: {  	s26 =	sshra.s32 s0, $0x2  }
0x49: {  	[sflag:s25] =	ssyncadd.s32 $0xFFFFD800;
	s0 =	smov.u32 s2;
	s5 =	sadd.s32 $0x200, s2  }
0x4a: {  	[tilespmem:s28], [sflag:$0x1] =	stream.indirect.gather [hbm4b:s1+s29], $0x80, s26, s29, $0xb8;
	[tilespmem:$0x1E800] =	vst v63  }
0x4b: {  	p0 =	sne.s32 s2, $0xF800;
	_ =	swait.ge [sflag:s30], $0x2800  }
.Ltmp0:
0x4c: {  	[sflag:s30] =	ssyncset.done $0x0;
	(pc) =	sbr.rel @p0 .LBB2_2-.Ltmp0, $4  }
0x4d: {  	s2 =	sadd.s32 $0x4000, s26;
	[sflag:s30] =	ssyncadd.s32 $0xFFFFD800  }
0x4e: {  	[spmem:s3] =	stream.indirect.scatter.add.f32 [tilespmem:s28], [sflag:$0x2], $0x80, s2, s29, $0xb8;
	[tilespmem:$0x1E800] =	vst v63  }
0x4f: {  	_ =	swait.ge [sflag:s25], $0x2800  }
0x50: {  	s2 =	smov.u32 s5;
	[sflag:s25] =	ssyncset.done $0x0  }
0x51: {  	s0 =	sshra.s32 s0, $0x2;
	[sflag:s25] =	ssyncadd.s32 $0xFFFFD800  }
0x52: {  	[tilespmem:s28], [sflag:$0x1] =	stream.indirect.gather [hbm4b:s1+s29], $0x80, s0, s29, $0xb8;
	[tilespmem:$0x1E800] =	vst v63  }
0x53: {  	_ =	swait.ge [sflag:s30], $0x2800  }
0x54: {  	[sflag:s30] =	ssyncset.done $0x0  }
0x55: {  	s0 =	sadd.s32 $0x4000, s0;
	[sflag:s30] =	ssyncadd.s32 $0xFFFFD800  }
0x56: {  	[spmem:s3] =	stream.indirect.scatter.add.f32 [tilespmem:s28], [sflag:$0x2], $0x80, s0, s29, $0xb8;
	[tilespmem:$0x1E800] =	vst v63  }
0x57: {  	_ =	swait.ge [sflag:s25], $0x2800  }
0x58: {  	[sflag:s25] =	ssyncset.done $0x0  }
0x59: {  	[sflag:s25] =	ssyncadd.s32 $0xFFFFD800  }
0x5a: {  	[bflag:$0x0] =	sbarrier.arrive $0xFFFF  }
0x5b: {  	[tilespmem:s28], [sflag:$0x2] =	stream.linear.gather [spmem:s8], $0x2800, $0x38;
	[tilespmem:$0x1E800] =	vst v63  }
0x5c: {  	_ =	swait.ge [sflag:s25], $0x2800  }
0x5d: {  	[sflag:s25] =	ssyncset.done $0x0  }
0x5e: {  	[sflag:s25] =	ssyncadd.s32 $0xFFFFD800  }
0x5f: {  	[hbm4b:s15+s4] =	stream.linear.scatter [tilespmem:s28], [sflag:$0x2], $0x2800, $0x38;
	[tilespmem:$0x1E800] =	vst v63  }
0x60: {  	_ =	swait.ge [sflag:s25], $0x2800  }
0x61: {  	[sflag:s25] =	ssyncset.done $0x0  }
0x62: {  	[sflag:s25] =	ssyncadd.s32 $0xFFFFD800  }
0x63: {  	[tilespmem:s28], [sflag:$0x2] =	stream.linear.gather [spmem:s10], $0x2800, $0x38;
	[tilespmem:$0x1E800] =	vst v63  }
0x64: {  	_ =	swait.ge [sflag:s25], $0x2800  }
0x65: {  	[sflag:s25] =	ssyncset.done $0x0  }
0x66: {  	[sflag:s25] =	ssyncadd.s32 $0xFFFFD800  }
0x67: {  	[hbm4b:s18+s4] =	stream.linear.scatter [tilespmem:s28], [sflag:$0x2], $0x2800, $0x38;
	[tilespmem:$0x1E800] =	vst v63  }
0x68: {  	_ =	swait.ge [sflag:s25], $0x2800  }
0x69: {  	[sflag:s25] =	ssyncset.done $0x0  }
0x6a: {  	[sflag:s25] =	ssyncadd.s32 $0xFFFFD800  }
0x6b: {  	[tilespmem:s28], [sflag:$0x2] =	stream.linear.gather [spmem:s11], $0x2800, $0x38;
	[tilespmem:$0x1E800] =	vst v63  }
0x6c: {  	_ =	swait.ge [sflag:s25], $0x2800  }
0x6d: {  	[sflag:s25] =	ssyncset.done $0x0  }
0x6e: {  	[sflag:s25] =	ssyncadd.s32 $0xFFFFD800  }
0x6f: {  	[hbm4b:s19+s4] =	stream.linear.scatter [tilespmem:s28], [sflag:$0x2], $0x2800, $0x38;
	[tilespmem:$0x1E800] =	vst v63  }
0x70: {  	_ =	swait.ge [sflag:s25], $0x2800  }
0x71: {  	[sflag:s25] =	ssyncset.done $0x0  }
0x72: {  	[sflag:s25] =	ssyncadd.s32 $0xFFFFD800  }
0x73: {  	[tilespmem:s28], [sflag:$0x2] =	stream.linear.gather [spmem:s12], $0x2800, $0x38;
	[tilespmem:$0x1E800] =	vst v63  }
0x74: {  	_ =	swait.ge [sflag:s25], $0x2800  }
0x75: {  	[sflag:s25] =	ssyncset.done $0x0  }
0x76: {  	[sflag:s25] =	ssyncadd.s32 $0xFFFFD800  }
0x77: {  	[hbm4b:s20+s4] =	stream.linear.scatter [tilespmem:s28], [sflag:$0x2], $0x2800, $0x38;
	[tilespmem:$0x1E800] =	vst v63  }
0x78: {  	_ =	swait.ge [sflag:s25], $0x2800  }
0x79: {  	[sflag:s25] =	ssyncset.done $0x0  }
0x7a: {  	[sflag:s25] =	ssyncadd.s32 $0xFFFFD800  }
0x7b: {  	[tilespmem:s28], [sflag:$0x2] =	stream.linear.gather [spmem:s13], $0x2800, $0x38;
	[tilespmem:$0x1E800] =	vst v63  }
0x7c: {  	_ =	swait.ge [sflag:s25], $0x2800  }
0x7d: {  	[sflag:s25] =	ssyncset.done $0x0  }
0x7e: {  	[sflag:s25] =	ssyncadd.s32 $0xFFFFD800  }
0x7f: {  	[hbm4b:s21+s4] =	stream.linear.scatter [tilespmem:s28], [sflag:$0x2], $0x2800, $0x38;
	[tilespmem:$0x1E800] =	vst v63  }
0x80: {  	_ =	swait.ge [sflag:s25], $0x2800  }
0x81: {  	[sflag:s25] =	ssyncset.done $0x0  }
0x82: {  	[sflag:s25] =	ssyncadd.s32 $0xFFFFD800  }
0x83: {  	[tilespmem:s28], [sflag:$0x2] =	stream.linear.gather [spmem:s14], $0x2800, $0x38;
	[tilespmem:$0x1E800] =	vst v63  }
0x84: {  	_ =	swait.ge [sflag:s25], $0x2800  }
0x85: {  	[sflag:s25] =	ssyncset.done $0x0  }
0x86: {  	[sflag:s25] =	ssyncadd.s32 $0xFFFFD800  }
0x87: {  	[hbm4b:s22+s4] =	stream.linear.scatter [tilespmem:s28], [sflag:$0x2], $0x2800, $0x38;
	[tilespmem:$0x1E800] =	vst v63  }
0x88: {  	_ =	swait.ge [sflag:s25], $0x2800  }
0x89: {  	[sflag:s25] =	ssyncset.done $0x0  }
0x8a: {  	[sflag:s25] =	ssyncadd.s32 $0xFFFFD800  }
0x8b: {  	[tilespmem:s28], [sflag:$0x2] =	stream.linear.gather [spmem:s16], $0x2800, $0x38;
	[tilespmem:$0x1E800] =	vst v63  }
0x8c: {  	_ =	swait.ge [sflag:s25], $0x2800  }
0x8d: {  	[sflag:s25] =	ssyncset.done $0x0  }
0x8e: {  	[sflag:s25] =	ssyncadd.s32 $0xFFFFD800  }
0x8f: {  	[hbm4b:s23+s4] =	stream.linear.scatter [tilespmem:s28], [sflag:$0x2], $0x2800, $0x38;
	[tilespmem:$0x1E800] =	vst v63  }
0x90: {  	_ =	swait.ge [sflag:s25], $0x2800  }
0x91: {  	[sflag:s25] =	ssyncset.done $0x0  }
0x92: {  	[sflag:s25] =	ssyncadd.s32 $0xFFFFD800  }
0x93: {  	[tilespmem:s28], [sflag:$0x2] =	stream.linear.gather [spmem:s17], $0x2800, $0x38;
	[tilespmem:$0x1E800] =	vst v63  }
0x94: {  	s31 =	sadd.s32 $0x1, s31;
	_ =	swait.ge [sflag:s25], $0x2800  }
0x95: {  	p0 =	sne.s32 s31, s9;
	[sflag:s25] =	ssyncset.done $0x0  }
.Ltmp1:
0x96: {  	[sflag:s25] =	ssyncadd.s32 $0xFFFFD800;
	(pc) =	sbr.rel @p0 .LBB2_1-.Ltmp1, $4  }
0x97: {  	[hbm4b:s24+s4] =	stream.linear.scatter [tilespmem:s28], [sflag:$0x2], $0x2800, $0x38;
	[tilespmem:$0x1E800] =	vst v63  }
0x98: {  	_ =	swait.ge [sflag:s25], $0x2800  }
0x99: {  	[sflag:s25] =	ssyncset.done $0x0  }
0x9a: {  	[sflag:s25] =	ssyncadd.s32 $0xFFFFD800  }
0x9b: {  	_ =	sfence.sel $0x180000  }
0x9c: {  	[bflag:$0x0] =	sbarrier.arrive $0xFFFF  }
0x9d: {  	_ =	strace $0x9000004D  }
0x9e: {  	s0 =	stileid.u32;
	[bflag:$0x2] =	sbarrier.arrive $0xFFFF  }
0x9f: {  	p0 =	sne.s32 s0, $0x0;
	s0 =	rddreg [dreg:$0x4]  }
0xa0: {  	s0 =	sadd.s32 @!p0 $0x100000, s0  }
0xa1: {  	[sflag:s0] =	ssyncadd.tile.s32 @!p0 $0x1;
	_ =	shalt  }
.Lfunc_end2:
_tile_overlayer_lowered:
.L_overlay_start_2:
0xa2: {  	(tag) =	ssettag $0x2  }
0xa3: {  	s0 =	rddreg [dreg:$0x0];
	s2 =	stileid.u32  }
0xa4: {  	s1 =	rddreg [dreg:$0x1];
	p0 =	sne.s32 s2, $0x0  }
0xa5: {  	s3 =	rddreg [dreg:$0x2];
	[bflag:$0x3] =	sbarrier.arrive $0xFFFF;
	s2 =	simm.s32 @!p0 $0x1C02  }
0xa6: {  	[timem:s3], [sflag:s2] =	dma.local @!p0 [hbm:s0], s1  }
0xa7: {  	s0 =	simm.s32 @!p0 $0x2  }
0xa8: {  	_ =	swait.ge @!p0 [sflag:s0], s1  }
0xa9: {  	s1 =	ssub.s32 @!p0 $0x0, s1;
	[sflag:s0] =	ssyncset.done @!p0 $0x0  }
0xaa: {  	[sflag:s0] =	ssyncadd.s32 @!p0 s1  }
0xab: {  	[bflag:$0x3] =	sbarrier.arrive $0xFFFF  }
0xac: {  	_ =	shalt  }

// kernel: kernel.9.cloned.1.call-start
scs
__scs_entry_jumppad:
0x0: {  	(pc) =	sbr.rel $0x88, $3  }
0x1: {  	(tag) =	ssettag $0x0;
	lr =	simm.s32 $0x1  }
0x2: {  	[smem:$0x3F98] =	sst lr;
	_ =	strace $0xD0000000  }
0x3: {  	_ = 	snop  }
0x4: {  	_ = 	snop  }
0x5: {  	_ = 	snop  }
0x6: {  	_ = 	snop  }
0x7: {  	_ = 	snop  }
__scs_overlays_trampoline_lowered:
0x8: {  	[smem:$0x3FA7] =	sst s0  }
0x9: {  	[smem:$0x3FA8] =	sst s1  }
0xa: {  	[smem:$0x3FA9] =	sst s2  }
0xb: {  	[smem:$0x3FAA] =	sst s3  }
0xc: {  	[smem:$0x3FAB] =	sst s4  }
0xd: {  	[smem:$0x3FAC] =	sst s5  }
0xe: {  	[smem:$0x3FAD] =	sst s6  }
0xf: {  	[smem:$0x3FAE] =	sst s7  }
0x10: {  	[smem:$0x3FAF] =	sst s8  }
0x11: {  	[smem:$0x3FB0] =	sst s9;
	s0 =	simm.s32 @!p0 $0x0  }
0x12: {  	s1 =	sld [smem:$0x3F96];
	s0 =	simm.s32 @p0 $0x1  }
0x13: {  	[smem:$0x3FB1] =	sst s0;
	s0 =	simm.s32 @!p1 $0x0  }
0x14: {  	s2 =	sld [smem:$0x3F95];
	s0 =	simm.s32 @p1 $0x1  }
0x15: {  	[smem:$0x3FB2] =	sst s0;
	s0 =	simm.s32 @!p2 $0x0  }
0x16: {  	s3 =	sld [smem:$0x3FDB];
	s0 =	simm.s32 @p2 $0x1  }
0x17: {  	s4 =	simm.s32 $0x1BF5;
	[smem:$0x3FB4] =	sst s0  }
0x18: {  	s0 =	sld [smem:$0x3F97];
	_ =	swait.ge [sflag:s4], $0x0  }
0x19: {  	s7 =	sld [smem:$0x3F98]  }
0x1a: {  	s8 =	sadd.s32 $0xFFFFE003, lr  }
0x1b: {  	s9 =	sadd.s32 $0xFFFFFEF7, lr;
	s5 =	simm.s32 $0xFFFFFFFF;
	p2 =	slt.u32 s8, $0xFFFFF086  }
0x1c: {  	p1 =	slt.u32 s9, $0xF7A;
	s5 =	simm.s32 @!p2 $0x0  }
0x1d: {  	s5 =	simm.s32 @p1 $0x1;
	p0 =	seq.s32 s7, s2  }
0x1e: {  	s7 =	smul.u32 @!p0 $0xF7A, s2;
	p2 =	seq.s32 @!p0 s5, $0x0  }
0x1f: {  	s9 =	smul.u32 $0xF7A, s1;
	s8 =	simm.s32 @!p0 $0x1BF5;
	p2 =	por !p2, p0  }
0x20: {  	[sflag:s8] =	ssyncset.s32 @!p0 $0xFFFFF086;
	s6 =	sadd.s32 @!p0 s3, s7;
	s7 =	simm.s32 @!p0 $0x108  }
0x21: {  	s3 =	sadd.s32 s3, s9;
	s6 =	sadd.s32 @!p0 $0x88, s6;
	s7 =	simm.s32 @p2 $0x1082  }
0x22: {  	[simem:s7], [sflag:s8] =	dma.local @!p0 [hbm:s6], $0xF7A  }
0x23: {  	s9 =	sor.u32 $0xD0000000, s2;
	s6 =	simm.s32 $0x108;
	_ =	swait.ge @!p0 [sflag:s8], $0x0  }
0x24: {  	s3 =	sadd.s32 $0x88, s3;
	s6 =	simm.s32 @!p1 $0x1082;
	[sflag:s4] =	ssyncset.s32 $0xFFFFF086  }
0x25: {  	[simem:s6], [sflag:s4] =	dma.local [hbm:s3], $0xF7A  }
0x26: {  	[smem:$0x3F98] =	sst s1;
	(tag) =	ssettag s2;
	_ =	strace s9  }
0x27: {  	s1 =	sld [smem:$0x3FA8]  }
0x28: {  	s2 =	sld [smem:$0x3FA9]  }
0x29: {  	s4 =	sld [smem:$0x3FAB]  }
0x2a: {  	p0 =	seq.s32 s5, $0x0;
	s5 =	sld [smem:$0x3FAC]  }
0x2b: {  	s6 =	sld [smem:$0x3FAD]  }
0x2c: {  	s7 =	sld [smem:$0x3FAE]  }
0x2d: {  	s3 =	simm.s32 $0x108;
	s8 =	sld [smem:$0x3FAF]  }
0x2e: {  	s3 =	simm.s32 @!p0 $0x1082;
	s9 =	sld [smem:$0x3FB0]  }
0x2f: {  	lr =	sadd.s32 s0, s3;
	s0 =	sld [smem:$0x3FA7]  }
0x30: {  	s3 =	sld [smem:$0x3FAA]  }
0x31: {  	[smem:$0x3FB3] =	sst s10  }
0x32: {  	s10 =	sld [smem:$0x3FB1];
	_ =	sdelay $0x3  }
0x33: {  	p0 =	seq.s32 s10, $0x1;
	s10 =	sld [smem:$0x3FB3];
	_ =	sdelay $0x3  }
0x34: {  	[smem:$0x3FB3] =	sst s10  }
0x35: {  	s10 =	sld [smem:$0x3FB2];
	_ =	sdelay $0x3  }
0x36: {  	p1 =	seq.s32 s10, $0x1;
	s10 =	sld [smem:$0x3FB3];
	_ =	sdelay $0x3  }
0x37: {  	[smem:$0x3FB3] =	sst s10  }
0x38: {  	s10 =	sld [smem:$0x3FB4]  }
0x39: {  	_ = 	snop;
	(pc) =	sbr.ind lr, $3  }
0x3a: {  	_ = 	snop  }
0x3b: {  	_ = 	snop  }
0x3c: {  	p2 =	seq.s32 s10, $0x1;
	s10 =	sld [smem:$0x3FB3]  }
0x3d: {  	_ =	shalt  }
0x3e: {  	_ =	shalt  }
0x3f: {  	_ =	shalt  }
0x40: {  	_ =	shalt  }
0x41: {  	_ =	shalt  }
0x42: {  	_ =	shalt  }
0x43: {  	_ =	shalt  }
0x44: {  	_ =	shalt  }
0x45: {  	_ =	shalt  }
0x46: {  	_ =	shalt  }
0x47: {  	_ =	shalt  }
0x48: {  	_ =	shalt  }
0x49: {  	_ =	shalt  }
0x4a: {  	_ =	shalt  }
0x4b: {  	_ =	shalt  }
0x4c: {  	_ =	shalt  }
0x4d: {  	_ =	shalt  }
0x4e: {  	_ =	shalt  }
0x4f: {  	_ =	shalt  }
0x50: {  	_ =	shalt  }
0x51: {  	_ =	shalt  }
0x52: {  	_ =	shalt  }
0x53: {  	_ =	shalt  }
0x54: {  	_ =	shalt  }
0x55: {  	_ =	shalt  }
0x56: {  	_ =	shalt  }
0x57: {  	_ =	shalt  }
0x58: {  	_ =	shalt  }
0x59: {  	_ =	shalt  }
0x5a: {  	_ =	shalt  }
0x5b: {  	_ =	shalt  }
0x5c: {  	_ =	shalt  }
0x5d: {  	_ =	shalt  }
0x5e: {  	_ =	shalt  }
0x5f: {  	_ =	shalt  }
0x60: {  	_ =	shalt  }
0x61: {  	_ =	shalt  }
0x62: {  	_ =	shalt  }
0x63: {  	_ =	shalt  }
0x64: {  	_ =	shalt  }
0x65: {  	_ =	shalt  }
0x66: {  	_ =	shalt  }
0x67: {  	_ =	shalt  }
0x68: {  	_ =	shalt  }
0x69: {  	_ =	shalt  }
0x6a: {  	_ =	shalt  }
0x6b: {  	_ =	shalt  }
0x6c: {  	_ =	shalt  }
0x6d: {  	_ =	shalt  }
0x6e: {  	_ =	shalt  }
0x6f: {  	_ =	shalt  }
0x70: {  	_ =	shalt  }
0x71: {  	_ =	shalt  }
0x72: {  	_ =	shalt  }
0x73: {  	_ =	shalt  }
0x74: {  	_ =	shalt  }
0x75: {  	_ =	shalt  }
0x76: {  	_ =	shalt  }
0x77: {  	_ =	shalt  }
0x78: {  	_ =	shalt  }
0x79: {  	_ =	shalt  }
0x7a: {  	_ =	shalt  }
0x7b: {  	_ =	shalt  }
0x7c: {  	_ =	shalt  }
0x7d: {  	_ =	shalt  }
0x7e: {  	_ =	shalt  }
0x7f: {  	_ =	shalt  }
0x80: {  	_ =	shalt  }
0x81: {  	_ =	shalt  }
0x82: {  	_ =	shalt  }
0x83: {  	_ =	shalt  }
0x84: {  	_ =	shalt  }
0x85: {  	_ =	shalt  }
0x86: {  	_ =	shalt  }
0x87: {  	_ =	shalt  }
.Lfunc_end0:
.L_simem_size_0:
called_computation_lowered:
.L_overlay_start_0:
0x88: {  	s2 =	sld [smem:$0x3FD9]  }
0x89: {  	s3 =	sld [smem:$0x3FFE];
	_ =	sdelay $0x1  }
0x8a: {  	s1 =	srdreg.scid  }
0x8b: {  	s0 =	sand.u32 $0x1, s1  }
0x8c: {  	s14 =	sshll.u32 s0, $0xA;
	s2 =	sadd.s32 s3, s2  }
0x8d: {  	s2 =	sadd.s32 s2, s14  }
0x8e: {  	[smem:$0x3FBF] =	sst s2  }
0x8f: {  	_ = 	snop  }
0x90: {  	s2 =	sld [smem:$0x3FD0];
	_ =	sdelay $0x2  }
0x91: {  	s15 =	simm.s32 $0xA;
	s4 =	simm.s32 $0x10  }
0x92: {  	[smem:s4], [sflag:s15] =	dma.local [hbm:s2], $0x1  }
0x93: {  	_ =	swait.eq [sflag:s15], $0x1  }
0x94: {  	s16 =	sld [smem:$0x10];
	[sflag:s15] =	ssyncset.done $0x0  }
0x95: {  	s17 =	sld [smem:$0x11];
	[sflag:s15] =	ssyncadd.s32 $0xFFFFFFFF  }
0x96: {  	s18 =	sld [smem:$0x12];
	(tm) =	ssettm $0x1  }
0x97: {  	s5 =	sld [smem:$0x3FFB];
	_ =	sdelay $0x3  }
0x98: {  	_ =	strace s5  }
0x99: {  	s5 =	sld [smem:$0x3FFC];
	_ =	sdelay $0x3  }
0x9a: {  	_ =	strace s5  }
0x9b: {  	s5 =	sld [smem:$0x3FFD];
	_ =	sdelay $0x3  }
0x9c: {  	_ =	strace s5  }
0x9d: {  	_ =	strace $0x8FFFFFFF  }
0x9e: {  	s19 =	sld [smem:$0x3FDB];
	_ =	sdelay $0x1  }
0x9f: {  	s6 =	simm.s32 $_scs_section_size  }
0xa0: {  	s7 =	simm.s32 $_size__tile_overlayer_lowered;
	s8 =	simm.s32 $_tile_overlayer_lowered  }
0xa1: {  	s22 =	simm.s32 $0x1BFF;
	s21 =	sshll.u32 s8, $0x1;
	s5 =	sadd.s32 s6, s19  }
0xa2: {  	s9 =	simm.s32 $0x0;
	s20 =	sshll.u32 s7, $0x1;
	s7 =	sadd.s32 s21, s5  }
0xa3: {  	[timem:s9], [sflag:s22] =	dma.local [hbm:s7], s20  }
0xa4: {  	_ =	swait.ge [sflag:s22], s20  }
0xa5: {  	s6 =	ssub.s32 $0x0, s20;
	[sflag:s22] =	ssyncset.done $0x0  }
0xa6: {  	[sflag:s22] =	ssyncadd.s32 s6;
	_ =	sdelay $0x1  }
0xa7: {  	s23 =	simm.s32 $0x1B8B  }
0xa8: {  	_ =	swait.ge [sflag:s23], $0x1  }
0xa9: {  	[sflag:s23] =	ssyncset.done $0x0  }
0xaa: {  	s25 =	simm.s32 $0x1B8E;
	s24 =	sld [smem:$0x3FFE];
	[sflag:s23] =	ssyncadd.s32 $0xFFFFFFFF  }
0xab: {  	s26 =	simm.s32 $execute0_lowered;
	[smem:$0x3FD2] =	sst s25  }
0xac: {  	s7 =	sshll.u32 s26, $0x1;
	_ =	strace $0x80000046;
	[dreg:$0x1] =	wrdreg $0xFFFFFFFF  }
0xad: {  	s28 =	simm.s32 $_size_execute0_lowered;
	s5 =	sadd.s32 s5, s7;
	[dreg:$0x0] =	wrdreg $0x0  }
0xae: {  	s7 =	sshll.u32 s28, $0x1;
	[dreg:$0x2] =	wrdreg s5  }
0xaf: {  	[dreg:$0x3] =	wrdreg s7  }
0xb0: {  	[dreg:$0x4] =	wrdreg $0xC0  }
0xb1: {  	_ =	task [dreg:s9], $0x5FFFF  }
0xb2: {  	[dreg:$0x1] =	wrdreg $0xFFFFFFFF  }
0xb3: {  	[dreg:$0x0] =	wrdreg $0x60  }
0xb4: {  	[dreg:$0x2] =	wrdreg s24  }
0xb5: {  	[dreg:$0x3] =	wrdreg s17  }
0xb6: {  	[dreg:$0x4] =	wrdreg s18  }
0xb7: {  	[dreg:$0x5] =	wrdreg s16  }
0xb8: {  	[dreg:$0x6] =	wrdreg $0x79000  }
0xb9: {  	[dreg:$0x7] =	wrdreg $0x9  }
0xba: {  	_ =	task.clear_ibuf [dreg:s9], $0x8FFFF;
	_ =	strace $0x90000046  }
0xbb: {  	s29 =	simm.s32 $0x9;
	_ =	strace $0x80000048  }
0xbc: {  	_ =	swait.ge [sflag:s29], $0x1  }
0xbd: {  	[sflag:s29] =	ssyncadd.s32 $0xFFFFFFFF  }
0xbe: {  	_ =	strace $0x90000048  }
0xbf: {  	_ =	sfence  }
0xc0: {  	s30 =	sld [smem:$0x0];
	_ =	sdelay $0x2  }
0xc1: {  	s31 =	sshll.u32 s1, $0xD;
	s1 =	sshrl.u32 s1, $0x2  }
0xc2: {  	s3 =	sand.u32 $0x4000, s31;
	s1 =	sadd.s32 s1, s30  }
0xc3: {  	s0 =	sor.u32 s3, s0;
	s1 =	sshll.u32 s1, $0x11  }
0xc4: {  	s0 =	sor.u32 s1, s0  }
0xc5: {  	s0 =	sadd.s32 $0x8F2B, s0  }
0xc6: {  	[sflag:s0] =	ssyncadd.remote.s32 $0x1  }
0xc7: {  	_ =	sfence.sel $0xFFFF  }
0xc8: {  	[dreg:$0x0] =	wrdreg $0xFFFFFFFF;
	(pc) =	sbr.abs _section_cstart, $3  }
0xc9: {  	[dreg:$0x1] =	wrdreg $0xFFFFFFFF  }
0xca: {  	_ =	task.clear_ibuf [dreg:s9], $0x2FFFF;
	_ =	strace $0x9FFFFFFF  }
0xcb: {  	(tm) =	ssettm $0x7FFFFFFF  }
tec
execute0_lowered:
.L_overlay_start_1:
0x0: {  	(tag) =	ssettag $0x1  }
0x1: {  	s0 =	rddreg [dreg:$0x0]  }
0x2: {  	s1 =	rddreg [dreg:$0x3]  }
0x3: {  	s3 =	rddreg [dreg:$0x4];
	s2 =	srdreg.scid;
	s5 =	simm.s32 $0x0  }
0x4: {  	s9 =	stileid.u32;
	s28 =	simm.s32 $0x3;
	s29 =	simm.s32 $0x2900  }
0x5: {  	s30 =	simm.s32 $0x5100;
	s31 =	simm.s32 $0x80;
	s6 =	smul.u32 $0x50000, s9  }
0x6: {  	s2 =	sand.u32 $0x1, s2;
	[smem:$0x7FF] =	sst s5;
	s8 =	smul.u32 $0x14000, s9  }
0x7: {  	s23 =	sshll.u32 s9, $0xB;
	s4 =	sshll.u32 s2, $0xF;
	_ =	strace $0x80000047  }
0x8: {  	s21 =	ssub.s32 $0x2, s2;
	s2 =	smul.u32 $0x140000, s2;
	s4 =	sadd.s32 s4, s0  }
0x9: {  	s0 =	sadd.s32 $0x22A00, s0;
	s7 =	sshrl.u32 s21, $0x1;
	s6 =	sshrl.u32 s6, $0x2  }
0xa: {  	[dreg:$0x6] =	wrdreg s0;
	s0 =	ssub.s32 s21, s7;
	s7 =	sadd.s32 s6, s3  }
0xb: {  	s2 =	sadd.s32 s8, s2;
	s26 =	sadd.s32 s23, s4;
	s4 =	simm.s32 $0x1  }
0xc: {  	s0 =	smax.u32 s0, $0x1;
	s9 =	sadd.s32 $0x2800, s7;
	s10 =	sadd.s32 $0x5000, s7  }
0xd: {  	s11 =	sadd.s32 $0x7800, s7;
	s22 =	sshrl.u32 s2, $0x3;
	s12 =	sadd.s32 $0xA000, s7  }
0xe: {  	s13 =	sadd.s32 $0xC800, s7;
	s15 =	sadd.s32 $0xF000, s7;
	s16 =	sadd.s32 $0x11800, s7  }
0xf: {  	s2 =	simm.s32 $0x0;
	[dreg:$0x7] =	wrdreg s0;
	s14 =	sadd.s32 s1, s22  }
0x10: {  	s1 =	simm.s32 $0x2;
	s0 =	sadd.s32 $0x500, s14;
	s24 =	sadd.s32 $0xA00, s14  }
0x11: {  	s25 =	sadd.s32 $0xF00, s14;
	s20 =	sadd.s32 $0x1400, s14;
	[dreg:$0x8] =	wrdreg s0  }
0x12: {  	s21 =	sadd.s32 $0x1900, s14;
	s22 =	sadd.s32 $0x1E00, s14;
	[dreg:$0x9] =	wrdreg s24  }
0x13: {  	s23 =	sadd.s32 $0x2300, s14;
	[dreg:$0xa] =	wrdreg s25;
	s24 =	sadd.s32 $0x12A00, s26  }
0x14: {  	s25 =	sadd.s32 $0x2A00, s26;
	s26 =	simm.s32 $0x100;
	s0 =	simm.s32 $0x50  }
.LBB2_1:
0x15: {  	s6 =	rddreg [dreg:$0x1]  }
0x16: {  	[tilespmem:s26], [sflag:$0x3] =	stream.linear.gather [hbm4b:s6+s5], $0x2800, $0x38;
	[tilespmem:$0x1B900] =	vst v63  }
0x17: {  	_ =	swait.ge [sflag:s28], $0x2800  }
0x18: {  	[sflag:s28] =	ssyncset.done $0x0  }
0x19: {  	[sflag:s28] =	ssyncadd.s32 $0xFFFFD800  }
0x1a: {  	s8 =	rddreg [dreg:$0x2]  }
0x1b: {  	[tilespmem:s29], [sflag:$0x3] =	stream.linear.gather [hbm4b:s8+s5], $0x2800, $0x38;
	[tilespmem:$0x1B900] =	vst v63  }
0x1c: {  	_ =	swait.ge [sflag:s28], $0x2800  }
0x1d: {  	[sflag:s28] =	ssyncset.done $0x0  }
0x1e: {  	s17 =	rddreg [dreg:$0x6];
	[sflag:s28] =	ssyncadd.s32 $0xFFFFD800  }
0x1f: {  	[tilespmem:s30], [sflag:$0x3] =	stream.linear.gather [hbm4b:s17+s5], $0x2800, $0x38;
	[tilespmem:$0x1B900] =	vst v63  }
0x20: {  	_ =	swait.ge [sflag:s28], $0x2800  }
0x21: {  	[sflag:s28] =	ssyncset.done $0x0  }
0x22: {  	[sflag:s28] =	ssyncadd.s32 $0xFFFFD800  }
0x23: {  	[spmem:s7] =	stream.linear.scatter [tilespmem:s30], [sflag:$0x3], $0x2800, $0x38;
	[tilespmem:$0x1B900] =	vst v63  }
0x24: {  	_ =	swait.ge [sflag:s28], $0x2800  }
0x25: {  	[sflag:s28] =	ssyncset.done $0x0  }
0x26: {  	[sflag:s28] =	ssyncadd.s32 $0xFFFFD800  }
0x27: {  	[spmem:s9] =	stream.linear.scatter [tilespmem:s30], [sflag:$0x3], $0x2800, $0x38;
	[tilespmem:$0x1B900] =	vst v63  }
0x28: {  	_ =	swait.ge [sflag:s28], $0x2800  }
0x29: {  	[sflag:s28] =	ssyncset.done $0x0  }
0x2a: {  	[sflag:s28] =	ssyncadd.s32 $0xFFFFD800  }
0x2b: {  	[spmem:s10] =	stream.linear.scatter [tilespmem:s30], [sflag:$0x3], $0x2800, $0x38;
	[tilespmem:$0x1B900] =	vst v63  }
0x2c: {  	_ =	swait.ge [sflag:s28], $0x2800  }
0x2d: {  	[sflag:s28] =	ssyncset.done $0x0  }
0x2e: {  	[sflag:s28] =	ssyncadd.s32 $0xFFFFD800  }
0x2f: {  	[spmem:s11] =	stream.linear.scatter [tilespmem:s30], [sflag:$0x3], $0x2800, $0x38;
	[tilespmem:$0x1B900] =	vst v63  }
0x30: {  	_ =	swait.ge [sflag:s28], $0x2800  }
0x31: {  	[sflag:s28] =	ssyncset.done $0x0  }
0x32: {  	[sflag:s28] =	ssyncadd.s32 $0xFFFFD800  }
0x33: {  	[spmem:s12] =	stream.linear.scatter [tilespmem:s30], [sflag:$0x3], $0x2800, $0x38;
	[tilespmem:$0x1B900] =	vst v63  }
0x34: {  	_ =	swait.ge [sflag:s28], $0x2800  }
0x35: {  	[sflag:s28] =	ssyncset.done $0x0  }
0x36: {  	[sflag:s28] =	ssyncadd.s32 $0xFFFFD800  }
0x37: {  	[spmem:s13] =	stream.linear.scatter [tilespmem:s30], [sflag:$0x3], $0x2800, $0x38;
	[tilespmem:$0x1B900] =	vst v63  }
0x38: {  	_ =	swait.ge [sflag:s28], $0x2800  }
0x39: {  	[sflag:s28] =	ssyncset.done $0x0  }
0x3a: {  	[sflag:s28] =	ssyncadd.s32 $0xFFFFD800  }
0x3b: {  	[spmem:s15] =	stream.linear.scatter [tilespmem:s30], [sflag:$0x3], $0x2800, $0x38;
	[tilespmem:$0x1B900] =	vst v63  }
0x3c: {  	_ =	swait.ge [sflag:s28], $0x2800  }
0x3d: {  	[sflag:s28] =	ssyncset.done $0x0  }
0x3e: {  	[sflag:s28] =	ssyncadd.s32 $0xFFFFD800  }
0x3f: {  	[spmem:s16] =	stream.linear.scatter [tilespmem:s30], [sflag:$0x3], $0x2800, $0x38;
	[tilespmem:$0x1B900] =	vst v63  }
0x40: {  	_ =	swait.ge [sflag:s28], $0x2800  }
0x41: {  	[sflag:s28] =	ssyncset.done $0x0  }
0x42: {  	[sflag:s28] =	ssyncadd.s32 $0xFFFFD800  }
0x43: {  	s18 =	sadd.s32 $0x0, s24;
	[bflag:$0x0] =	sbarrier.arrive $0xFFFF  }
0x44: {  	[tilespmem:s5], [sflag:$0x3] =	stream.linear.gather [hbm4b:s18+s5], $0x80, $0x38;
	[tilespmem:$0x1B900] =	vst v63  }
0x45: {  	_ =	swait.ge [sflag:s28], $0x80  }
0x46: {  	[sflag:s28] =	ssyncset.done $0x0  }
0x47: {  	s19 =	sadd.s32 $0x0, s25;
	[sflag:s28] =	ssyncadd.s32 $0xFFFFFF80  }
0x48: {  	[tilespmem:s31], [sflag:$0x3] =	stream.linear.gather [hbm4b:s19+s5], $0x80, $0x38;
	[tilespmem:$0x1B900] =	vst v63  }
0x49: {  	_ =	swait.ge [sflag:s28], $0x80  }
0x4a: {  	[sflag:s28] =	ssyncset.done $0x0  }
0x4b: {  	[sflag:s28] =	ssyncadd.s32 $0xFFFFFF80  }
0x4c: {  	[spmem:s3] =	stream.indirect.scatter.add.f32 [tilespmem:s26], [sflag:$0x1], $0x80, s5, s0, $0xb8;
	[tilespmem:$0x1B900] =	vst v63  }
0x4d: {  	_ = 	snop  }
0x4e: {  	[spmem:s3] =	stream.indirect.scatter.add.f32 [tilespmem:s29], [sflag:$0x2], $0x80, s31, s0, $0xb8;
	[tilespmem:$0x1B900] =	vst v63  }
0x4f: {  	_ =	swait.ge [sflag:s4], $0x2800  }
0x50: {  	[sflag:s4] =	ssyncset.done $0x0  }
0x51: {  	[sflag:s4] =	ssyncadd.s32 $0xFFFFD800  }
0x52: {  	_ =	swait.ge [sflag:s1], $0x2800  }
0x53: {  	s6 =	simm.s32 $0x10;
	s8 =	simm.s32 $0x20;
	[sflag:s1] =	ssyncset.done $0x0  }
.LBB2_2:
0x54: {  	s17 =	sadd.s32 s6, s24  }
0x55: {  	[sflag:s1] =	ssyncadd.s32 $0xFFFFD800;
	s18 =	smov.u32 s8;
	s19 =	sadd.s32 $0x10, s8  }
0x56: {  	[tilespmem:s5], [sflag:$0x3] =	stream.linear.gather [hbm4b:s17+s5], $0x80, $0x38;
	[tilespmem:$0x1B900] =	vst v63  }
0x57: {  	p0 =	sne.s32 s8, $0x7C0;
	_ =	swait.ge [sflag:s28], $0x80  }
0x58: {  	[sflag:s28] =	ssyncset.done $0x0  }
0x59: {  	s8 =	sadd.s32 s6, s25;
	s6 =	smov.u32 s18;
	[sflag:s28] =	ssyncadd.s32 $0xFFFFFF80  }
0x5a: {  	[tilespmem:s31], [sflag:$0x3] =	stream.linear.gather [hbm4b:s8+s5], $0x80, $0x38;
	[tilespmem:$0x1B900] =	vst v63  }
0x5b: {  	_ =	swait.ge [sflag:s28], $0x80  }
0x5c: {  	[sflag:s28] =	ssyncset.done $0x0  }
0x5d: {  	[sflag:s28] =	ssyncadd.s32 $0xFFFFFF80  }
0x5e: {  	[spmem:s3] =	stream.indirect.scatter.add.f32 [tilespmem:s26], [sflag:$0x1], $0x80, s5, s0, $0xb8;
	[tilespmem:$0x1B900] =	vst v63  }
0x5f: {  	_ = 	snop  }
0x60: {  	[spmem:s3] =	stream.indirect.scatter.add.f32 [tilespmem:s29], [sflag:$0x2], $0x80, s31, s0, $0xb8;
	[tilespmem:$0x1B900] =	vst v63  }
.Ltmp0:
0x61: {  	_ =	swait.ge [sflag:s4], $0x2800;
	(pc) =	sbr.rel @p0 .LBB2_2-.Ltmp0, $4  }
0x62: {  	[sflag:s4] =	ssyncset.done $0x0  }
0x63: {  	[sflag:s4] =	ssyncadd.s32 $0xFFFFD800  }
0x64: {  	_ =	swait.ge [sflag:s1], $0x2800  }
0x65: {  	s8 =	smov.u32 s19;
	[sflag:s1] =	ssyncset.done $0x0  }
0x66: {  	s8 =	sadd.s32 s6, s24;
	[sflag:s1] =	ssyncadd.s32 $0xFFFFD800  }
0x67: {  	[tilespmem:s5], [sflag:$0x3] =	stream.linear.gather [hbm4b:s8+s5], $0x80, $0x38;
	[tilespmem:$0x1B900] =	vst v63  }
0x68: {  	_ =	swait.ge [sflag:s28], $0x80  }
0x69: {  	[sflag:s28] =	ssyncset.done $0x0  }
0x6a: {  	s19 =	sadd.s32 s6, s25;
	[sflag:s28] =	ssyncadd.s32 $0xFFFFFF80  }
0x6b: {  	[tilespmem:s31], [sflag:$0x3] =	stream.linear.gather [hbm4b:s19+s5], $0x80, $0x38;
	[tilespmem:$0x1B900] =	vst v63  }
0x6c: {  	_ =	swait.ge [sflag:s28], $0x80  }
0x6d: {  	[sflag:s28] =	ssyncset.done $0x0  }
0x6e: {  	[sflag:s28] =	ssyncadd.s32 $0xFFFFFF80  }
0x6f: {  	[spmem:s3] =	stream.indirect.scatter.add.f32 [tilespmem:s26], [sflag:$0x1], $0x80, s5, s0, $0xb8;
	[tilespmem:$0x1B900] =	vst v63  }
0x70: {  	_ = 	snop  }
0x71: {  	[spmem:s3] =	stream.indirect.scatter.add.f32 [tilespmem:s29], [sflag:$0x2], $0x80, s31, s0, $0xb8;
	[tilespmem:$0x1B900] =	vst v63  }
0x72: {  	_ =	swait.ge [sflag:s4], $0x2800  }
0x73: {  	[sflag:s4] =	ssyncset.done $0x0  }
0x74: {  	[sflag:s4] =	ssyncadd.s32 $0xFFFFD800  }
0x75: {  	_ =	swait.ge [sflag:s1], $0x2800  }
0x76: {  	[sflag:s1] =	ssyncset.done $0x0  }
0x77: {  	[sflag:s1] =	ssyncadd.s32 $0xFFFFD800  }
0x78: {  	[bflag:$0x0] =	sbarrier.arrive $0xFFFF  }
0x79: {  	[tilespmem:s30], [sflag:$0x3] =	stream.linear.gather [spmem:s7], $0x2800, $0x38;
	[tilespmem:$0x1B900] =	vst v63  }
0x7a: {  	_ =	swait.ge [sflag:s28], $0x2800  }
0x7b: {  	[sflag:s28] =	ssyncset.done $0x0  }
0x7c: {  	[sflag:s28] =	ssyncadd.s32 $0xFFFFD800  }
0x7d: {  	[hbm4b:s14+s5] =	stream.linear.scatter [tilespmem:s30], [sflag:$0x3], $0x2800, $0x38;
	[tilespmem:$0x1B900] =	vst v63  }
0x7e: {  	_ =	swait.ge [sflag:s28], $0x2800  }
0x7f: {  	[sflag:s28] =	ssyncset.done $0x0  }
0x80: {  	[sflag:s28] =	ssyncadd.s32 $0xFFFFD800  }
0x81: {  	[tilespmem:s30], [sflag:$0x3] =	stream.linear.gather [spmem:s9], $0x2800, $0x38;
	[tilespmem:$0x1B900] =	vst v63  }
0x82: {  	_ =	swait.ge [sflag:s28], $0x2800  }
0x83: {  	[sflag:s28] =	ssyncset.done $0x0  }
0x84: {  	s8 =	rddreg [dreg:$0x8];
	[sflag:s28] =	ssyncadd.s32 $0xFFFFD800  }
0x85: {  	[hbm4b:s8+s5] =	stream.linear.scatter [tilespmem:s30], [sflag:$0x3], $0x2800, $0x38;
	[tilespmem:$0x1B900] =	vst v63  }
0x86: {  	_ =	swait.ge [sflag:s28], $0x2800  }
0x87: {  	[sflag:s28] =	ssyncset.done $0x0  }
0x88: {  	[sflag:s28] =	ssyncadd.s32 $0xFFFFD800  }
0x89: {  	[tilespmem:s30], [sflag:$0x3] =	stream.linear.gather [spmem:s10], $0x2800, $0x38;
	[tilespmem:$0x1B900] =	vst v63  }
0x8a: {  	_ =	swait.ge [sflag:s28], $0x2800  }
0x8b: {  	[sflag:s28] =	ssyncset.done $0x0  }
0x8c: {  	s17 =	rddreg [dreg:$0x9];
	[sflag:s28] =	ssyncadd.s32 $0xFFFFD800  }
0x8d: {  	[hbm4b:s17+s5] =	stream.linear.scatter [tilespmem:s30], [sflag:$0x3], $0x2800, $0x38;
	[tilespmem:$0x1B900] =	vst v63  }
0x8e: {  	_ =	swait.ge [sflag:s28], $0x2800  }
0x8f: {  	[sflag:s28] =	ssyncset.done $0x0  }
0x90: {  	[sflag:s28] =	ssyncadd.s32 $0xFFFFD800  }
0x91: {  	[tilespmem:s30], [sflag:$0x3] =	stream.linear.gather [spmem:s11], $0x2800, $0x38;
	[tilespmem:$0x1B900] =	vst v63  }
0x92: {  	_ =	swait.ge [sflag:s28], $0x2800  }
0x93: {  	[sflag:s28] =	ssyncset.done $0x0  }
0x94: {  	s18 =	rddreg [dreg:$0xa];
	[sflag:s28] =	ssyncadd.s32 $0xFFFFD800  }
0x95: {  	[hbm4b:s18+s5] =	stream.linear.scatter [tilespmem:s30], [sflag:$0x3], $0x2800, $0x38;
	[tilespmem:$0x1B900] =	vst v63  }
0x96: {  	_ =	swait.ge [sflag:s28], $0x2800  }
0x97: {  	[sflag:s28] =	ssyncset.done $0x0  }
0x98: {  	[sflag:s28] =	ssyncadd.s32 $0xFFFFD800  }
0x99: {  	[tilespmem:s30], [sflag:$0x3] =	stream.linear.gather [spmem:s12], $0x2800, $0x38;
	[tilespmem:$0x1B900] =	vst v63  }
0x9a: {  	_ =	swait.ge [sflag:s28], $0x2800  }
0x9b: {  	[sflag:s28] =	ssyncset.done $0x0  }
0x9c: {  	[sflag:s28] =	ssyncadd.s32 $0xFFFFD800  }
0x9d: {  	[hbm4b:s20+s5] =	stream.linear.scatter [tilespmem:s30], [sflag:$0x3], $0x2800, $0x38;
	[tilespmem:$0x1B900] =	vst v63  }
0x9e: {  	_ =	swait.ge [sflag:s28], $0x2800  }
0x9f: {  	[sflag:s28] =	ssyncset.done $0x0  }
0xa0: {  	[sflag:s28] =	ssyncadd.s32 $0xFFFFD800  }
0xa1: {  	[tilespmem:s30], [sflag:$0x3] =	stream.linear.gather [spmem:s13], $0x2800, $0x38;
	[tilespmem:$0x1B900] =	vst v63  }
0xa2: {  	_ =	swait.ge [sflag:s28], $0x2800  }
0xa3: {  	[sflag:s28] =	ssyncset.done $0x0  }
0xa4: {  	[sflag:s28] =	ssyncadd.s32 $0xFFFFD800  }
0xa5: {  	[hbm4b:s21+s5] =	stream.linear.scatter [tilespmem:s30], [sflag:$0x3], $0x2800, $0x38;
	[tilespmem:$0x1B900] =	vst v63  }
0xa6: {  	_ =	swait.ge [sflag:s28], $0x2800  }
0xa7: {  	[sflag:s28] =	ssyncset.done $0x0  }
0xa8: {  	[sflag:s28] =	ssyncadd.s32 $0xFFFFD800  }
0xa9: {  	[tilespmem:s30], [sflag:$0x3] =	stream.linear.gather [spmem:s15], $0x2800, $0x38;
	[tilespmem:$0x1B900] =	vst v63  }
0xaa: {  	_ =	swait.ge [sflag:s28], $0x2800  }
0xab: {  	[sflag:s28] =	ssyncset.done $0x0  }
0xac: {  	[sflag:s28] =	ssyncadd.s32 $0xFFFFD800  }
0xad: {  	[hbm4b:s22+s5] =	stream.linear.scatter [tilespmem:s30], [sflag:$0x3], $0x2800, $0x38;
	[tilespmem:$0x1B900] =	vst v63  }
0xae: {  	_ =	swait.ge [sflag:s28], $0x2800  }
0xaf: {  	[sflag:s28] =	ssyncset.done $0x0  }
0xb0: {  	[sflag:s28] =	ssyncadd.s32 $0xFFFFD800  }
0xb1: {  	[tilespmem:s30], [sflag:$0x3] =	stream.linear.gather [spmem:s16], $0x2800, $0x38;
	[tilespmem:$0x1B900] =	vst v63  }
0xb2: {  	_ =	swait.ge [sflag:s28], $0x2800  }
0xb3: {  	[sflag:s28] =	ssyncset.done $0x0  }
0xb4: {  	[sflag:s28] =	ssyncadd.s32 $0xFFFFD800  }
0xb5: {  	[hbm4b:s23+s5] =	stream.linear.scatter [tilespmem:s30], [sflag:$0x3], $0x2800, $0x38;
	[tilespmem:$0x1B900] =	vst v63  }
0xb6: {  	_ =	swait.ge [sflag:s28], $0x2800  }
0xb7: {  	s2 =	sadd.s32 $0x1, s2;
	s19 =	rddreg [dreg:$0x7]  }
0xb8: {  	p0 =	sne.s32 s2, s19  }
.Ltmp1:
0xb9: {  	_ = 	snop;
	(pc) =	sbr.rel @p0 .LBB2_1-.Ltmp1, $3  }
0xba: {  	_ =	sdelay $0x1  }
0xbb: {  	[sflag:s28] =	ssyncset.done $0x0  }
0xbc: {  	[sflag:s28] =	ssyncadd.s32 $0xFFFFD800  }
0xbd: {  	_ =	sfence.sel $0x180000  }
0xbe: {  	[bflag:$0x0] =	sbarrier.arrive $0xFFFF  }
0xbf: {  	_ =	strace $0x90000047  }
0xc0: {  	s0 =	stileid.u32;
	[bflag:$0x2] =	sbarrier.arrive $0xFFFF  }
0xc1: {  	p0 =	sne.s32 s0, $0x0;
	s0 =	rddreg [dreg:$0x5]  }
0xc2: {  	s0 =	sadd.s32 @!p0 $0x100000, s0  }
0xc3: {  	[sflag:s0] =	ssyncadd.tile.s32 @!p0 $0x1;
	_ =	shalt  }
.Lfunc_end2:
_tile_overlayer_lowered:
.L_overlay_start_2:
0xc4: {  	(tag) =	ssettag $0x2  }
0xc5: {  	s0 =	rddreg [dreg:$0x0];
	s2 =	stileid.u32  }
0xc6: {  	s1 =	rddreg [dreg:$0x1];
	p0 =	sne.s32 s2, $0x0  }
0xc7: {  	s3 =	rddreg [dreg:$0x2];
	[bflag:$0x3] =	sbarrier.arrive $0xFFFF;
	s2 =	simm.s32 @!p0 $0x1C03  }
0xc8: {  	[timem:s3], [sflag:s2] =	dma.local @!p0 [hbm:s0], s1  }
0xc9: {  	s0 =	simm.s32 @!p0 $0x3  }
0xca: {  	_ =	swait.ge @!p0 [sflag:s0], s1  }
0xcb: {  	s1 =	ssub.s32 @!p0 $0x0, s1;
	[sflag:s0] =	ssyncset.done @!p0 $0x0  }
0xcc: {  	[sflag:s0] =	ssyncadd.s32 @!p0 s1  }
0xcd: {  	[bflag:$0x3] =	sbarrier.arrive $0xFFFF  }
0xce: {  	_ =	shalt  }

</sc_bundles>
